<compile_context>
chip_gen: v7x
topology: tpu7x:2x2x1
jax: 0.10.2.dev20260603
libtpu: 0.0.44.dev20260713+nightly
codegen_flags: <defaults>
</compile_context>

<pallas_src>
import functools

import jax
import jax.numpy as jnp
from jax import lax
from jax.experimental import pallas as pl
from jax.experimental.pallas import tpu as pltpu
from jax.experimental.pallas import tpu_sc as plsc

B, N, C = 8, 32768, 64
M = N // 4
NC, NS, L = 2, 16, 16
NW = NC * NS
CPW = C // (NW // B)


def _body(feat_t, pos_t, fps, out_t, pos_out,
          idx_v, row0, row1, prow, ob0, ob1, s0, s1, o0, o1, ps):
    w = lax.axis_index("s") * NC + lax.axis_index("c")
    b = w // (NW // B)
    cbase = (w % (NW // B)) * CPW
    k = w % (NW // B)
    rows = [row0, row1]
    obs = [ob0, ob1]
    ssems = [s0, s1]
    osems = [o0, o1]

    pltpu.sync_copy(fps.at[b], idx_v)
    pltpu.async_copy(feat_t.at[b, cbase], row0, s0)

    @pl.when(k < 3)
    def _pos_prefetch():
        pltpu.async_copy(pos_t.at[k, b], prow, ps)

    owaits = [None, None]
    for t in range(CPW):
        u = t % 2
        pltpu.make_async_copy(feat_t.at[b, cbase + t], rows[u],
                              ssems[u]).wait()
        if t + 1 < CPW:
            nu = (t + 1) % 2
            pltpu.async_copy(feat_t.at[b, cbase + t + 1], rows[nu],
                             ssems[nu])
        if owaits[u] is not None:
            owaits[u].wait()
            owaits[u] = None

        @plsc.parallel_loop(0, M // L, unroll=8)
        def _g(g, u=u):
            sl = pl.ds(g * L, L)
            obs[u][sl] = plsc.load_gather(rows[u], [idx_v[sl]])

        owaits[u] = pltpu.async_copy(obs[u], out_t.at[b, cbase + t],
                                     osems[u])
    for wv in owaits:
        if wv is not None:
            wv.wait()

    @pl.when(k < 3)
    def _pos():
        pltpu.make_async_copy(pos_t.at[k, b], prow, ps).wait()

        @plsc.parallel_loop(0, M // L, unroll=8)
        def _g2(g):
            sl = pl.ds(g * L, L)
            ob0[sl] = plsc.load_gather(prow, [idx_v[sl]])

        pltpu.sync_copy(ob0, pos_out.at[k, b])


@jax.jit
def _sc_gather(feat_t, pos_t, fps):
    mesh = plsc.VectorSubcoreMesh(core_axis_name="c", subcore_axis_name="s")
    f = functools.partial(
        pl.kernel, mesh=mesh,
        out_type=(jax.ShapeDtypeStruct((B, C, M), jnp.float32),
                  jax.ShapeDtypeStruct((3, B, M), jnp.float32)),
        scratch_types=[
            pltpu.VMEM((M,), jnp.int32),
            pltpu.VMEM((N,), jnp.float32),
            pltpu.VMEM((N,), jnp.float32),
            pltpu.VMEM((N,), jnp.float32),
            pltpu.VMEM((M,), jnp.float32),
            pltpu.VMEM((M,), jnp.float32),
            pltpu.SemaphoreType.DMA,
            pltpu.SemaphoreType.DMA,
            pltpu.SemaphoreType.DMA,
            pltpu.SemaphoreType.DMA,
            pltpu.SemaphoreType.DMA,
        ],
        compiler_params=pltpu.CompilerParams(use_tc_tiling_on_sc=True,
                                             needs_layout_passes=False),
    )(_body)
    return f(feat_t, pos_t, fps)


def kernel(pos, feat, fps_preprocess):
    feat_t = jnp.transpose(feat, (0, 2, 1))
    pos_t = jnp.transpose(pos, (2, 0, 1))
    out_t, pos_out_t = _sc_gather(feat_t, pos_t, fps_preprocess)
    pos_ds = jnp.transpose(pos_out_t, (1, 2, 0))
    feat_ds = jnp.transpose(out_t, (0, 2, 1))
    return pos_ds, feat_ds

# --- scband reference (transcript-rebuilt; emitter-appended) ---
"""Pipeline reference for scband-fps-9612136808568 (READ-ONLY COPY).

The authoritative reference and input builder live on the scoring server;
editing this copy changes nothing except your own understanding.
"""

import jax, jax.numpy as jnp
import numpy as np


def gather_by_idx(db, q_idx):
    # db: [B, N, C]; q_idx: [B, M]
    db_flipped = jnp.einsum('ijk->ikj', db)  # [B, C, N]
    gathered = jax.vmap(lambda d, i: jnp.take(d, i, axis=1))(db_flipped, q_idx)  # [B, C, M]
    return jnp.einsum('ijk->ikj', gathered)  # [B, M, C]


def setup_inputs(seed: int = 0) -> dict:
    key = jax.random.key(seed)
    k1, k2, k3 = jax.random.split(key, 3)
    B, N, C = 8, 32768, 64
    M = N // 4  # downsample_ratio = 4
    pos = jax.random.normal(k1, (B, N, 3), dtype=jnp.float32)
    feat = jax.random.normal(k2, (B, N, C), dtype=jnp.float32)
    fps_preprocess = jax.random.randint(k3, (B, M), 0, N, dtype=jnp.int32)
    return {"pos": pos, "feat": feat, "fps_preprocess": fps_preprocess}


def reference(pos, feat, fps_preprocess):
    fps_idx = jnp.squeeze(fps_preprocess)
    pos_downsampled = gather_by_idx(pos, fps_idx)
    feat_downsampled = gather_by_idx(feat, fps_idx)
    return (pos_downsampled, feat_downsampled)

if __name__ == "__main__":
    import jax
    _d = setup_inputs()
    print(jax.jit(kernel)(*tuple(_d.values())))

</pallas_src>

<mosaic_0001>
#map = affine_map<(d0, d1) -> (0, 0, 0)>
#map1 = affine_map<(d0, d1) -> (0, 0)>
module attributes {stable_mosaic.version = 14 : i64} {
  func.func @_body(%arg0: i32, %arg1: i32, %arg2: memref<8x64x32768xf32, #tpu.memory_space<hbm>>, %arg3: memref<3x8x32768xf32, #tpu.memory_space<hbm>>, %arg4: memref<8x8192xi32, #tpu.memory_space<hbm>>, %arg5: memref<8x64x8192xf32, #tpu.memory_space<hbm>>, %arg6: memref<3x8x8192xf32, #tpu.memory_space<hbm>>, %arg7: memref<8192xi32, #tpu.memory_space<vmem>>, %arg8: memref<32768xf32, #tpu.memory_space<vmem>>, %arg9: memref<32768xf32, #tpu.memory_space<vmem>>, %arg10: memref<32768xf32, #tpu.memory_space<vmem>>, %arg11: memref<8192xf32, #tpu.memory_space<vmem>>, %arg12: memref<8192xf32, #tpu.memory_space<vmem>>, %arg13: memref<!tpu.dma_semaphore, #tpu.memory_space<semaphore_mem>>, %arg14: memref<!tpu.dma_semaphore, #tpu.memory_space<semaphore_mem>>, %arg15: memref<!tpu.dma_semaphore, #tpu.memory_space<semaphore_mem>>, %arg16: memref<!tpu.dma_semaphore, #tpu.memory_space<semaphore_mem>>, %arg17: memref<!tpu.dma_semaphore, #tpu.memory_space<semaphore_mem>>) attributes {dimension_semantics = [#tpu.dimension_semantics<core_parallel>, #tpu.dimension_semantics<subcore_parallel>], iteration_bounds = array<i64: 2, 16>, scalar_prefetch = 0 : i64, scratch_operands = 11 : i64, tpu.core_type = #tpu.core_type<sc_vector_subcore>, window_params = [{transform_indices = #map}, {transform_indices = #map}, {transform_indices = #map1}, {transform_indices = #map}, {transform_indices = #map}]} {
    %mul3A = arith.constant 2 : i32
    %mul3A_0 = arith.muli %arg1, %mul3A : i32
    %add3A = arith.addi %mul3A_0, %arg0 : i32
    %jit3A = arith.constant 4 : i32
    %div3A = arith.divsi %add3A, %jit3A : i32
    %sign3A = arith.constant 0 : i32
    %sign3A_1 = arith.cmpi sgt, %add3A, %sign3A : i32
    %sign3A_2 = arith.extui %sign3A_1 : i1 to i32
    %sign3A_3 = arith.constant 0 : i32
    %sign3A_4 = arith.cmpi slt, %add3A, %sign3A_3 : i32
    %sign3A_5 = arith.extui %sign3A_4 : i1 to i32
    %sign3A_6 = arith.subi %sign3A_2, %sign3A_5 : i32
    %sign3A_7 = arith.constant 0 : i32
    %sign3A_8 = arith.cmpi sgt, %jit3A, %sign3A_7 : i32
    %sign3A_9 = arith.extui %sign3A_8 : i1 to i32
    %sign3A_10 = arith.constant 0 : i32
    %sign3A_11 = arith.cmpi slt, %jit3A, %sign3A_10 : i32
    %sign3A_12 = arith.extui %sign3A_11 : i1 to i32
    %sign3A_13 = arith.subi %sign3A_9, %sign3A_12 : i32
    %ne3A = arith.cmpi ne, %sign3A_6, %sign3A_13 : i32
    %rem3A = arith.remsi %add3A, %jit3A : i32
    %ne3A_14 = arith.constant 0 : i32
    %ne3A_15 = arith.cmpi ne, %rem3A, %ne3A_14 : i32
    %and3A = arith.andi %ne3A, %ne3A_15 : i1
    %sub3A = arith.constant 1 : i32
    %sub3A_16 = arith.subi %div3A, %sub3A : i32
    %select_n3A = arith.select %and3A, %sub3A_16, %div3A : i32
    %jit3A_17 = arith.constant 4 : i32
    %eq3A = arith.constant 0 : i32
    %eq3A_18 = arith.cmpi eq, %jit3A_17, %eq3A : i32
    %jit3A_19 = arith.constant 1 : i32
    %select_n3A_20 = arith.select %eq3A_18, %jit3A_19, %jit3A_17 : i32
    %rem3A_21 = arith.remsi %add3A, %select_n3A_20 : i32
    %ne3A_22 = arith.constant 0 : i32
    %ne3A_23 = arith.cmpi ne, %rem3A_21, %ne3A_22 : i32
    %lt3A = arith.constant 0 : i32
    %lt3A_24 = arith.cmpi slt, %rem3A_21, %lt3A : i32
    %lt3A_25 = arith.constant 0 : i32
    %lt3A_26 = arith.cmpi slt, %select_n3A_20, %lt3A_25 : i32
    %ne3A_27 = arith.xori %lt3A_24, %lt3A_26 : i1
    %and3A_28 = arith.andi %ne3A_27, %ne3A_23 : i1
    %add3A_29 = arith.addi %rem3A_21, %select_n3A_20 : i32
    %select_n3A_30 = arith.select %and3A_28, %add3A_29, %rem3A_21 : i32
    %mul3A_31 = arith.constant 16 : i32
    %mul3A_32 = arith.muli %select_n3A_30, %mul3A_31 : i32
    %jit3A_33 = arith.constant 4 : i32
    %eq3A_34 = arith.constant 0 : i32
    %eq3A_35 = arith.cmpi eq, %jit3A_33, %eq3A_34 : i32
    %jit3A_36 = arith.constant 1 : i32
    %select_n3A_37 = arith.select %eq3A_35, %jit3A_36, %jit3A_33 : i32
    %rem3A_38 = arith.remsi %add3A, %select_n3A_37 : i32
    %ne3A_39 = arith.constant 0 : i32
    %ne3A_40 = arith.cmpi ne, %rem3A_38, %ne3A_39 : i32
    %lt3A_41 = arith.constant 0 : i32
    %lt3A_42 = arith.cmpi slt, %rem3A_38, %lt3A_41 : i32
    %lt3A_43 = arith.constant 0 : i32
    %lt3A_44 = arith.cmpi slt, %select_n3A_37, %lt3A_43 : i32
    %ne3A_45 = arith.xori %lt3A_42, %lt3A_44 : i1
    %and3A_46 = arith.andi %ne3A_45, %ne3A_40 : i1
    %add3A_47 = arith.addi %rem3A_38, %select_n3A_37 : i32
    %select_n3A_48 = arith.select %and3A_46, %add3A_47, %rem3A_38 : i32
    "tpu.region"() ({
      %run_scoped3A = tpu.sem_alloc : memref<!tpu.dma_semaphore, #tpu.memory_space<semaphore_mem>>
      %dma_start3A_610 = arith.constant 0 : i32
      %dma_start3A_611 = tpu.memref_slice %arg4[%select_n3A, %dma_start3A_610] : memref<8x8192xi32, #tpu.memory_space<hbm>> -> memref<1x8192xi32, #tpu.memory_space<hbm>>
      %dma_start3A_612 = tpu.memref_squeeze %dma_start3A_611 : memref<1x8192xi32, #tpu.memory_space<hbm>> -> memref<8192xi32, #tpu.memory_space<hbm>>
      %dma_start3A_613 = arith.constant 0 : i32
      %dma_start3A_614 = tpu.memref_slice %arg4[%select_n3A, %dma_start3A_613] : memref<8x8192xi32, #tpu.memory_space<hbm>> -> memref<1x8192xi32, #tpu.memory_space<hbm>>
      %dma_start3A_615 = tpu.memref_squeeze %dma_start3A_614 : memref<1x8192xi32, #tpu.memory_space<hbm>> -> memref<8192xi32, #tpu.memory_space<hbm>>
      tpu.enqueue_dma source(%dma_start3A_615 : memref<8192xi32, #tpu.memory_space<hbm>>) target(%arg7 : memref<8192xi32, #tpu.memory_space<vmem>>) target_semaphore(%run_scoped3A : memref<!tpu.dma_semaphore, #tpu.memory_space<semaphore_mem>>)
      %dma_wait3A_616 = arith.constant 0 : i32
      %dma_wait3A_617 = tpu.memref_slice %arg4[%select_n3A, %dma_wait3A_616] : memref<8x8192xi32, #tpu.memory_space<hbm>> -> memref<1x8192xi32, #tpu.memory_space<hbm>>
      %dma_wait3A_618 = tpu.memref_squeeze %dma_wait3A_617 : memref<1x8192xi32, #tpu.memory_space<hbm>> -> memref<8192xi32, #tpu.memory_space<hbm>>
      %dma_wait3A_619 = arith.constant 0 : i32
      %dma_wait3A_620 = tpu.memref_slice %arg4[%select_n3A, %dma_wait3A_619] : memref<8x8192xi32, #tpu.memory_space<hbm>> -> memref<1x8192xi32, #tpu.memory_space<hbm>>
      %dma_wait3A_621 = tpu.memref_squeeze %dma_wait3A_620 : memref<1x8192xi32, #tpu.memory_space<hbm>> -> memref<8192xi32, #tpu.memory_space<hbm>>
      tpu.wait_dma2 semaphore(%run_scoped3A : memref<!tpu.dma_semaphore, #tpu.memory_space<semaphore_mem>>) src(%dma_wait3A_621 : memref<8192xi32, #tpu.memory_space<hbm>>) dst(%arg7 : memref<8192xi32, #tpu.memory_space<vmem>>)
      tpu.yield
    }) : () -> ()
    %dma_start3A = arith.constant 0 : i32
    %dma_start3A_49 = tpu.memref_slice %arg2[%select_n3A, %mul3A_32, %dma_start3A] : memref<8x64x32768xf32, #tpu.memory_space<hbm>> -> memref<1x1x32768xf32, #tpu.memory_space<hbm>>
    %dma_start3A_50 = tpu.memref_squeeze %dma_start3A_49 : memref<1x1x32768xf32, #tpu.memory_space<hbm>> -> memref<32768xf32, #tpu.memory_space<hbm>>
    %dma_start3A_51 = arith.constant 0 : i32
    %dma_start3A_52 = tpu.memref_slice %arg2[%select_n3A, %mul3A_32, %dma_start3A_51] : memref<8x64x32768xf32, #tpu.memory_space<hbm>> -> memref<1x1x32768xf32, #tpu.memory_space<hbm>>
    %dma_start3A_53 = tpu.memref_squeeze %dma_start3A_52 : memref<1x1x32768xf32, #tpu.memory_space<hbm>> -> memref<32768xf32, #tpu.memory_space<hbm>>
    tpu.enqueue_dma source(%dma_start3A_53 : memref<32768xf32, #tpu.memory_space<hbm>>) target(%arg8 : memref<32768xf32, #tpu.memory_space<vmem>>) target_semaphore(%arg13 : memref<!tpu.dma_semaphore, #tpu.memory_space<semaphore_mem>>)
    %lt3A_54 = arith.constant 3 : i32
    %lt3A_55 = arith.cmpi slt, %select_n3A_48, %lt3A_54 : i32
    %convert_element_type3A = arith.extui %lt3A_55 : i1 to i32
    %cond3A = arith.constant 0 : i32
    %cond3A_56 = arith.cmpi ne, %convert_element_type3A, %cond3A : i32
    scf.if %cond3A_56 {
      %dma_start3A_610 = arith.constant 0 : i32
      %dma_start3A_611 = tpu.memref_slice %arg3[%select_n3A_48, %select_n3A, %dma_start3A_610] : memref<3x8x32768xf32, #tpu.memory_space<hbm>> -> memref<1x1x32768xf32, #tpu.memory_space<hbm>>
      %dma_start3A_612 = tpu.memref_squeeze %dma_start3A_611 : memref<1x1x32768xf32, #tpu.memory_space<hbm>> -> memref<32768xf32, #tpu.memory_space<hbm>>
      %dma_start3A_613 = arith.constant 0 : i32
      %dma_start3A_614 = tpu.memref_slice %arg3[%select_n3A_48, %select_n3A, %dma_start3A_613] : memref<3x8x32768xf32, #tpu.memory_space<hbm>> -> memref<1x1x32768xf32, #tpu.memory_space<hbm>>
      %dma_start3A_615 = tpu.memref_squeeze %dma_start3A_614 : memref<1x1x32768xf32, #tpu.memory_space<hbm>> -> memref<32768xf32, #tpu.memory_space<hbm>>
      tpu.enqueue_dma source(%dma_start3A_615 : memref<32768xf32, #tpu.memory_space<hbm>>) target(%arg10 : memref<32768xf32, #tpu.memory_space<vmem>>) target_semaphore(%arg17 : memref<!tpu.dma_semaphore, #tpu.memory_space<semaphore_mem>>)
    } else {
    }
    %add3A_57 = arith.constant 0 : i32
    %add3A_58 = arith.addi %mul3A_32, %add3A_57 : i32
    %dma_wait3A = arith.constant 0 : i32
    %dma_wait3A_59 = tpu.memref_slice %arg2[%select_n3A, %add3A_58, %dma_wait3A] : memref<8x64x32768xf32, #tpu.memory_space<hbm>> -> memref<1x1x32768xf32, #tpu.memory_space<hbm>>
    %dma_wait3A_60 = tpu.memref_squeeze %dma_wait3A_59 : memref<1x1x32768xf32, #tpu.memory_space<hbm>> -> memref<32768xf32, #tpu.memory_space<hbm>>
    %dma_wait3A_61 = arith.constant 0 : i32
    %dma_wait3A_62 = tpu.memref_slice %arg2[%select_n3A, %add3A_58, %dma_wait3A_61] : memref<8x64x32768xf32, #tpu.memory_space<hbm>> -> memref<1x1x32768xf32, #tpu.memory_space<hbm>>
    %dma_wait3A_63 = tpu.memref_squeeze %dma_wait3A_62 : memref<1x1x32768xf32, #tpu.memory_space<hbm>> -> memref<32768xf32, #tpu.memory_space<hbm>>
    tpu.wait_dma2 semaphore(%arg13 : memref<!tpu.dma_semaphore, #tpu.memory_space<semaphore_mem>>) src(%dma_wait3A_63 : memref<32768xf32, #tpu.memory_space<hbm>>) dst(%arg8 : memref<32768xf32, #tpu.memory_space<vmem>>)
    %add3A_64 = arith.constant 0 : i32
    %add3A_65 = arith.addi %mul3A_32, %add3A_64 : i32
    %add3A_66 = arith.constant 1 : i32
    %add3A_67 = arith.addi %add3A_65, %add3A_66 : i32
    %dma_start3A_68 = arith.constant 0 : i32
    %dma_start3A_69 = tpu.memref_slice %arg2[%select_n3A, %add3A_67, %dma_start3A_68] : memref<8x64x32768xf32, #tpu.memory_space<hbm>> -> memref<1x1x32768xf32, #tpu.memory_space<hbm>>
    %dma_start3A_70 = tpu.memref_squeeze %dma_start3A_69 : memref<1x1x32768xf32, #tpu.memory_space<hbm>> -> memref<32768xf32, #tpu.memory_space<hbm>>
    %dma_start3A_71 = arith.constant 0 : i32
    %dma_start3A_72 = tpu.memref_slice %arg2[%select_n3A, %add3A_67, %dma_start3A_71] : memref<8x64x32768xf32, #tpu.memory_space<hbm>> -> memref<1x1x32768xf32, #tpu.memory_space<hbm>>
    %dma_start3A_73 = tpu.memref_squeeze %dma_start3A_72 : memref<1x1x32768xf32, #tpu.memory_space<hbm>> -> memref<32768xf32, #tpu.memory_space<hbm>>
    tpu.enqueue_dma source(%dma_start3A_73 : memref<32768xf32, #tpu.memory_space<hbm>>) target(%arg9 : memref<32768xf32, #tpu.memory_space<vmem>>) target_semaphore(%arg14 : memref<!tpu.dma_semaphore, #tpu.memory_space<semaphore_mem>>)
    %parallel_loop3A = arith.constant 0 : i32
    %parallel_loop3A_74 = arith.constant 512 : i32
    %parallel_loop3A_75 = arith.constant 1 : i32
    scf.for %parallel_loop3A_610 = %parallel_loop3A to %parallel_loop3A_74 step %parallel_loop3A_75  : i32 {
      %parallel_loop3A_611 = arith.constant 16 : i32
      %parallel_loop3A_612 = arith.muli %parallel_loop3A_610, %parallel_loop3A_611 : i32
      %parallel_loop3A_613 = arith.index_cast %parallel_loop3A_612 : i32 to index
      %parallel_loop3A_614 = tpu.vector_load %arg7[%parallel_loop3A_613] {strides = array<i32>} : memref<8192xi32, #tpu.memory_space<vmem>>, vector<16xi32>,
      %parallel_loop3A_615 = tpu.vector_load_idx %arg8[%parallel_loop3A_614] : memref<32768xf32, #tpu.memory_space<vmem>>[vector<16xi32>], vector<16xf32>,
      %parallel_loop3A_616 = arith.index_cast %parallel_loop3A_612 : i32 to index
      %parallel_loop3A_617 = tpu.vector_load %arg11[%parallel_loop3A_616] {strides = array<i32>} : memref<8192xf32, #tpu.memory_space<vmem>>, vector<16xf32>,
      tpu.vector_store %arg11[%parallel_loop3A_616], %parallel_loop3A_615 {strides = array<i32>} : memref<8192xf32, #tpu.memory_space<vmem>>, vector<16xf32>,
    } {sc.loop_unroll_factor = 8 : i64, sc.parallel_access}
    %add3A_76 = arith.constant 0 : i32
    %add3A_77 = arith.addi %mul3A_32, %add3A_76 : i32
    %dma_start3A_78 = arith.constant 0 : i32
    %dma_start3A_79 = tpu.memref_slice %arg5[%select_n3A, %add3A_77, %dma_start3A_78] : memref<8x64x8192xf32, #tpu.memory_space<hbm>> -> memref<1x1x8192xf32, #tpu.memory_space<hbm>>
    %dma_start3A_80 = tpu.memref_squeeze %dma_start3A_79 : memref<1x1x8192xf32, #tpu.memory_space<hbm>> -> memref<8192xf32, #tpu.memory_space<hbm>>
    %dma_start3A_81 = arith.constant 0 : i32
    %dma_start3A_82 = tpu.memref_slice %arg5[%select_n3A, %add3A_77, %dma_start3A_81] : memref<8x64x8192xf32, #tpu.memory_space<hbm>> -> memref<1x1x8192xf32, #tpu.memory_space<hbm>>
    %dma_start3A_83 = tpu.memref_squeeze %dma_start3A_82 : memref<1x1x8192xf32, #tpu.memory_space<hbm>> -> memref<8192xf32, #tpu.memory_space<hbm>>
    tpu.enqueue_dma source(%arg11 : memref<8192xf32, #tpu.memory_space<vmem>>) target(%dma_start3A_83 : memref<8192xf32, #tpu.memory_space<hbm>>) target_semaphore(%arg15 : memref<!tpu.dma_semaphore, #tpu.memory_space<semaphore_mem>>)
    %add3A_84 = arith.constant 1 : i32
    %add3A_85 = arith.addi %mul3A_32, %add3A_84 : i32
    %dma_wait3A_86 = arith.constant 0 : i32
    %dma_wait3A_87 = tpu.memref_slice %arg2[%select_n3A, %add3A_85, %dma_wait3A_86] : memref<8x64x32768xf32, #tpu.memory_space<hbm>> -> memref<1x1x32768xf32, #tpu.memory_space<hbm>>
    %dma_wait3A_88 = tpu.memref_squeeze %dma_wait3A_87 : memref<1x1x32768xf32, #tpu.memory_space<hbm>> -> memref<32768xf32, #tpu.memory_space<hbm>>
    %dma_wait3A_89 = arith.constant 0 : i32
    %dma_wait3A_90 = tpu.memref_slice %arg2[%select_n3A, %add3A_85, %dma_wait3A_89] : memref<8x64x32768xf32, #tpu.memory_space<hbm>> -> memref<1x1x32768xf32, #tpu.memory_space<hbm>>
    %dma_wait3A_91 = tpu.memref_squeeze %dma_wait3A_90 : memref<1x1x32768xf32, #tpu.memory_space<hbm>> -> memref<32768xf32, #tpu.memory_space<hbm>>
    tpu.wait_dma2 semaphore(%arg14 : memref<!tpu.dma_semaphore, #tpu.memory_space<semaphore_mem>>) src(%dma_wait3A_91 : memref<32768xf32, #tpu.memory_space<hbm>>) dst(%arg9 : memref<32768xf32, #tpu.memory_space<vmem>>)
    %add3A_92 = arith.constant 1 : i32
    %add3A_93 = arith.addi %mul3A_32, %add3A_92 : i32
    %add3A_94 = arith.constant 1 : i32
    %add3A_95 = arith.addi %add3A_93, %add3A_94 : i32
    %dma_start3A_96 = arith.constant 0 : i32
    %dma_start3A_97 = tpu.memref_slice %arg2[%select_n3A, %add3A_95, %dma_start3A_96] : memref<8x64x32768xf32, #tpu.memory_space<hbm>> -> memref<1x1x32768xf32, #tpu.memory_space<hbm>>
    %dma_start3A_98 = tpu.memref_squeeze %dma_start3A_97 : memref<1x1x32768xf32, #tpu.memory_space<hbm>> -> memref<32768xf32, #tpu.memory_space<hbm>>
    %dma_start3A_99 = arith.constant 0 : i32
    %dma_start3A_100 = tpu.memref_slice %arg2[%select_n3A, %add3A_95, %dma_start3A_99] : memref<8x64x32768xf32, #tpu.memory_space<hbm>> -> memref<1x1x32768xf32, #tpu.memory_space<hbm>>
    %dma_start3A_101 = tpu.memref_squeeze %dma_start3A_100 : memref<1x1x32768xf32, #tpu.memory_space<hbm>> -> memref<32768xf32, #tpu.memory_space<hbm>>
    tpu.enqueue_dma source(%dma_start3A_101 : memref<32768xf32, #tpu.memory_space<hbm>>) target(%arg8 : memref<32768xf32, #tpu.memory_space<vmem>>) target_semaphore(%arg13 : memref<!tpu.dma_semaphore, #tpu.memory_space<semaphore_mem>>)
    %parallel_loop3A_102 = arith.constant 0 : i32
    %parallel_loop3A_103 = arith.constant 512 : i32
    %parallel_loop3A_104 = arith.constant 1 : i32
    scf.for %parallel_loop3A_610 = %parallel_loop3A_102 to %parallel_loop3A_103 step %parallel_loop3A_104  : i32 {
      %parallel_loop3A_611 = arith.constant 16 : i32
      %parallel_loop3A_612 = arith.muli %parallel_loop3A_610, %parallel_loop3A_611 : i32
      %parallel_loop3A_613 = arith.index_cast %parallel_loop3A_612 : i32 to index
      %parallel_loop3A_614 = tpu.vector_load %arg7[%parallel_loop3A_613] {strides = array<i32>} : memref<8192xi32, #tpu.memory_space<vmem>>, vector<16xi32>,
      %parallel_loop3A_615 = tpu.vector_load_idx %arg9[%parallel_loop3A_614] : memref<32768xf32, #tpu.memory_space<vmem>>[vector<16xi32>], vector<16xf32>,
      %parallel_loop3A_616 = arith.index_cast %parallel_loop3A_612 : i32 to index
      %parallel_loop3A_617 = tpu.vector_load %arg12[%parallel_loop3A_616] {strides = array<i32>} : memref<8192xf32, #tpu.memory_space<vmem>>, vector<16xf32>,
      tpu.vector_store %arg12[%parallel_loop3A_616], %parallel_loop3A_615 {strides = array<i32>} : memref<8192xf32, #tpu.memory_space<vmem>>, vector<16xf32>,
    } {sc.loop_unroll_factor = 8 : i64, sc.parallel_access}
    %add3A_105 = arith.constant 1 : i32
    %add3A_106 = arith.addi %mul3A_32, %add3A_105 : i32
    %dma_start3A_107 = arith.constant 0 : i32
    %dma_start3A_108 = tpu.memref_slice %arg5[%select_n3A, %add3A_106, %dma_start3A_107] : memref<8x64x8192xf32, #tpu.memory_space<hbm>> -> memref<1x1x8192xf32, #tpu.memory_space<hbm>>
    %dma_start3A_109 = tpu.memref_squeeze %dma_start3A_108 : memref<1x1x8192xf32, #tpu.memory_space<hbm>> -> memref<8192xf32, #tpu.memory_space<hbm>>
    %dma_start3A_110 = arith.constant 0 : i32
    %dma_start3A_111 = tpu.memref_slice %arg5[%select_n3A, %add3A_106, %dma_start3A_110] : memref<8x64x8192xf32, #tpu.memory_space<hbm>> -> memref<1x1x8192xf32, #tpu.memory_space<hbm>>
    %dma_start3A_112 = tpu.memref_squeeze %dma_start3A_111 : memref<1x1x8192xf32, #tpu.memory_space<hbm>> -> memref<8192xf32, #tpu.memory_space<hbm>>
    tpu.enqueue_dma source(%arg12 : memref<8192xf32, #tpu.memory_space<vmem>>) target(%dma_start3A_112 : memref<8192xf32, #tpu.memory_space<hbm>>) target_semaphore(%arg16 : memref<!tpu.dma_semaphore, #tpu.memory_space<semaphore_mem>>)
    %add3A_113 = arith.constant 2 : i32
    %add3A_114 = arith.addi %mul3A_32, %add3A_113 : i32
    %dma_wait3A_115 = arith.constant 0 : i32
    %dma_wait3A_116 = tpu.memref_slice %arg2[%select_n3A, %add3A_114, %dma_wait3A_115] : memref<8x64x32768xf32, #tpu.memory_space<hbm>> -> memref<1x1x32768xf32, #tpu.memory_space<hbm>>
    %dma_wait3A_117 = tpu.memref_squeeze %dma_wait3A_116 : memref<1x1x32768xf32, #tpu.memory_space<hbm>> -> memref<32768xf32, #tpu.memory_space<hbm>>
    %dma_wait3A_118 = arith.constant 0 : i32
    %dma_wait3A_119 = tpu.memref_slice %arg2[%select_n3A, %add3A_114, %dma_wait3A_118] : memref<8x64x32768xf32, #tpu.memory_space<hbm>> -> memref<1x1x32768xf32, #tpu.memory_space<hbm>>
    %dma_wait3A_120 = tpu.memref_squeeze %dma_wait3A_119 : memref<1x1x32768xf32, #tpu.memory_space<hbm>> -> memref<32768xf32, #tpu.memory_space<hbm>>
    tpu.wait_dma2 semaphore(%arg13 : memref<!tpu.dma_semaphore, #tpu.memory_space<semaphore_mem>>) src(%dma_wait3A_120 : memref<32768xf32, #tpu.memory_space<hbm>>) dst(%arg8 : memref<32768xf32, #tpu.memory_space<vmem>>)
    %add3A_121 = arith.constant 2 : i32
    %add3A_122 = arith.addi %mul3A_32, %add3A_121 : i32
    %add3A_123 = arith.constant 1 : i32
    %add3A_124 = arith.addi %add3A_122, %add3A_123 : i32
    %dma_start3A_125 = arith.constant 0 : i32
    %dma_start3A_126 = tpu.memref_slice %arg2[%select_n3A, %add3A_124, %dma_start3A_125] : memref<8x64x32768xf32, #tpu.memory_space<hbm>> -> memref<1x1x32768xf32, #tpu.memory_space<hbm>>
    %dma_start3A_127 = tpu.memref_squeeze %dma_start3A_126 : memref<1x1x32768xf32, #tpu.memory_space<hbm>> -> memref<32768xf32, #tpu.memory_space<hbm>>
    %dma_start3A_128 = arith.constant 0 : i32
    %dma_start3A_129 = tpu.memref_slice %arg2[%select_n3A, %add3A_124, %dma_start3A_128] : memref<8x64x32768xf32, #tpu.memory_space<hbm>> -> memref<1x1x32768xf32, #tpu.memory_space<hbm>>
    %dma_start3A_130 = tpu.memref_squeeze %dma_start3A_129 : memref<1x1x32768xf32, #tpu.memory_space<hbm>> -> memref<32768xf32, #tpu.memory_space<hbm>>
    tpu.enqueue_dma source(%dma_start3A_130 : memref<32768xf32, #tpu.memory_space<hbm>>) target(%arg9 : memref<32768xf32, #tpu.memory_space<vmem>>) target_semaphore(%arg14 : memref<!tpu.dma_semaphore, #tpu.memory_space<semaphore_mem>>)
    %dma_wait3A_131 = arith.constant 0 : i32
    %dma_wait3A_132 = tpu.memref_slice %arg5[%select_n3A, %add3A_77, %dma_wait3A_131] : memref<8x64x8192xf32, #tpu.memory_space<hbm>> -> memref<1x1x8192xf32, #tpu.memory_space<hbm>>
    %dma_wait3A_133 = tpu.memref_squeeze %dma_wait3A_132 : memref<1x1x8192xf32, #tpu.memory_space<hbm>> -> memref<8192xf32, #tpu.memory_space<hbm>>
    %dma_wait3A_134 = arith.constant 0 : i32
    %dma_wait3A_135 = tpu.memref_slice %arg5[%select_n3A, %add3A_77, %dma_wait3A_134] : memref<8x64x8192xf32, #tpu.memory_space<hbm>> -> memref<1x1x8192xf32, #tpu.memory_space<hbm>>
    %dma_wait3A_136 = tpu.memref_squeeze %dma_wait3A_135 : memref<1x1x8192xf32, #tpu.memory_space<hbm>> -> memref<8192xf32, #tpu.memory_space<hbm>>
    tpu.wait_dma2 semaphore(%arg15 : memref<!tpu.dma_semaphore, #tpu.memory_space<semaphore_mem>>) src(%arg11 : memref<8192xf32, #tpu.memory_space<vmem>>) dst(%dma_wait3A_136 : memref<8192xf32, #tpu.memory_space<hbm>>)
    %parallel_loop3A_137 = arith.constant 0 : i32
    %parallel_loop3A_138 = arith.constant 512 : i32
    %parallel_loop3A_139 = arith.constant 1 : i32
    scf.for %parallel_loop3A_610 = %parallel_loop3A_137 to %parallel_loop3A_138 step %parallel_loop3A_139  : i32 {
      %parallel_loop3A_611 = arith.constant 16 : i32
      %parallel_loop3A_612 = arith.muli %parallel_loop3A_610, %parallel_loop3A_611 : i32
      %parallel_loop3A_613 = arith.index_cast %parallel_loop3A_612 : i32 to index
      %parallel_loop3A_614 = tpu.vector_load %arg7[%parallel_loop3A_613] {strides = array<i32>} : memref<8192xi32, #tpu.memory_space<vmem>>, vector<16xi32>,
      %parallel_loop3A_615 = tpu.vector_load_idx %arg8[%parallel_loop3A_614] : memref<32768xf32, #tpu.memory_space<vmem>>[vector<16xi32>], vector<16xf32>,
      %parallel_loop3A_616 = arith.index_cast %parallel_loop3A_612 : i32 to index
      %parallel_loop3A_617 = tpu.vector_load %arg11[%parallel_loop3A_616] {strides = array<i32>} : memref<8192xf32, #tpu.memory_space<vmem>>, vector<16xf32>,
      tpu.vector_store %arg11[%parallel_loop3A_616], %parallel_loop3A_615 {strides = array<i32>} : memref<8192xf32, #tpu.memory_space<vmem>>, vector<16xf32>,
    } {sc.loop_unroll_factor = 8 : i64, sc.parallel_access}
    %add3A_140 = arith.constant 2 : i32
    %add3A_141 = arith.addi %mul3A_32, %add3A_140 : i32
    %dma_start3A_142 = arith.constant 0 : i32
    %dma_start3A_143 = tpu.memref_slice %arg5[%select_n3A, %add3A_141, %dma_start3A_142] : memref<8x64x8192xf32, #tpu.memory_space<hbm>> -> memref<1x1x8192xf32, #tpu.memory_space<hbm>>
    %dma_start3A_144 = tpu.memref_squeeze %dma_start3A_143 : memref<1x1x8192xf32, #tpu.memory_space<hbm>> -> memref<8192xf32, #tpu.memory_space<hbm>>
    %dma_start3A_145 = arith.constant 0 : i32
    %dma_start3A_146 = tpu.memref_slice %arg5[%select_n3A, %add3A_141, %dma_start3A_145] : memref<8x64x8192xf32, #tpu.memory_space<hbm>> -> memref<1x1x8192xf32, #tpu.memory_space<hbm>>
    %dma_start3A_147 = tpu.memref_squeeze %dma_start3A_146 : memref<1x1x8192xf32, #tpu.memory_space<hbm>> -> memref<8192xf32, #tpu.memory_space<hbm>>
    tpu.enqueue_dma source(%arg11 : memref<8192xf32, #tpu.memory_space<vmem>>) target(%dma_start3A_147 : memref<8192xf32, #tpu.memory_space<hbm>>) target_semaphore(%arg15 : memref<!tpu.dma_semaphore, #tpu.memory_space<semaphore_mem>>)
    %add3A_148 = arith.constant 3 : i32
    %add3A_149 = arith.addi %mul3A_32, %add3A_148 : i32
    %dma_wait3A_150 = arith.constant 0 : i32
    %dma_wait3A_151 = tpu.memref_slice %arg2[%select_n3A, %add3A_149, %dma_wait3A_150] : memref<8x64x32768xf32, #tpu.memory_space<hbm>> -> memref<1x1x32768xf32, #tpu.memory_space<hbm>>
    %dma_wait3A_152 = tpu.memref_squeeze %dma_wait3A_151 : memref<1x1x32768xf32, #tpu.memory_space<hbm>> -> memref<32768xf32, #tpu.memory_space<hbm>>
    %dma_wait3A_153 = arith.constant 0 : i32
    %dma_wait3A_154 = tpu.memref_slice %arg2[%select_n3A, %add3A_149, %dma_wait3A_153] : memref<8x64x32768xf32, #tpu.memory_space<hbm>> -> memref<1x1x32768xf32, #tpu.memory_space<hbm>>
    %dma_wait3A_155 = tpu.memref_squeeze %dma_wait3A_154 : memref<1x1x32768xf32, #tpu.memory_space<hbm>> -> memref<32768xf32, #tpu.memory_space<hbm>>
    tpu.wait_dma2 semaphore(%arg14 : memref<!tpu.dma_semaphore, #tpu.memory_space<semaphore_mem>>) src(%dma_wait3A_155 : memref<32768xf32, #tpu.memory_space<hbm>>) dst(%arg9 : memref<32768xf32, #tpu.memory_space<vmem>>)
    %add3A_156 = arith.constant 3 : i32
    %add3A_157 = arith.addi %mul3A_32, %add3A_156 : i32
    %add3A_158 = arith.constant 1 : i32
    %add3A_159 = arith.addi %add3A_157, %add3A_158 : i32
    %dma_start3A_160 = arith.constant 0 : i32
    %dma_start3A_161 = tpu.memref_slice %arg2[%select_n3A, %add3A_159, %dma_start3A_160] : memref<8x64x32768xf32, #tpu.memory_space<hbm>> -> memref<1x1x32768xf32, #tpu.memory_space<hbm>>
    %dma_start3A_162 = tpu.memref_squeeze %dma_start3A_161 : memref<1x1x32768xf32, #tpu.memory_space<hbm>> -> memref<32768xf32, #tpu.memory_space<hbm>>
    %dma_start3A_163 = arith.constant 0 : i32
    %dma_start3A_164 = tpu.memref_slice %arg2[%select_n3A, %add3A_159, %dma_start3A_163] : memref<8x64x32768xf32, #tpu.memory_space<hbm>> -> memref<1x1x32768xf32, #tpu.memory_space<hbm>>
    %dma_start3A_165 = tpu.memref_squeeze %dma_start3A_164 : memref<1x1x32768xf32, #tpu.memory_space<hbm>> -> memref<32768xf32, #tpu.memory_space<hbm>>
    tpu.enqueue_dma source(%dma_start3A_165 : memref<32768xf32, #tpu.memory_space<hbm>>) target(%arg8 : memref<32768xf32, #tpu.memory_space<vmem>>) target_semaphore(%arg13 : memref<!tpu.dma_semaphore, #tpu.memory_space<semaphore_mem>>)
    %dma_wait3A_166 = arith.constant 0 : i32
    %dma_wait3A_167 = tpu.memref_slice %arg5[%select_n3A, %add3A_106, %dma_wait3A_166] : memref<8x64x8192xf32, #tpu.memory_space<hbm>> -> memref<1x1x8192xf32, #tpu.memory_space<hbm>>
    %dma_wait3A_168 = tpu.memref_squeeze %dma_wait3A_167 : memref<1x1x8192xf32, #tpu.memory_space<hbm>> -> memref<8192xf32, #tpu.memory_space<hbm>>
    %dma_wait3A_169 = arith.constant 0 : i32
    %dma_wait3A_170 = tpu.memref_slice %arg5[%select_n3A, %add3A_106, %dma_wait3A_169] : memref<8x64x8192xf32, #tpu.memory_space<hbm>> -> memref<1x1x8192xf32, #tpu.memory_space<hbm>>
    %dma_wait3A_171 = tpu.memref_squeeze %dma_wait3A_170 : memref<1x1x8192xf32, #tpu.memory_space<hbm>> -> memref<8192xf32, #tpu.memory_space<hbm>>
    tpu.wait_dma2 semaphore(%arg16 : memref<!tpu.dma_semaphore, #tpu.memory_space<semaphore_mem>>) src(%arg12 : memref<8192xf32, #tpu.memory_space<vmem>>) dst(%dma_wait3A_171 : memref<8192xf32, #tpu.memory_space<hbm>>)
    %parallel_loop3A_172 = arith.constant 0 : i32
    %parallel_loop3A_173 = arith.constant 512 : i32
    %parallel_loop3A_174 = arith.constant 1 : i32
    scf.for %parallel_loop3A_610 = %parallel_loop3A_172 to %parallel_loop3A_173 step %parallel_loop3A_174  : i32 {
      %parallel_loop3A_611 = arith.constant 16 : i32
      %parallel_loop3A_612 = arith.muli %parallel_loop3A_610, %parallel_loop3A_611 : i32
      %parallel_loop3A_613 = arith.index_cast %parallel_loop3A_612 : i32 to index
      %parallel_loop3A_614 = tpu.vector_load %arg7[%parallel_loop3A_613] {strides = array<i32>} : memref<8192xi32, #tpu.memory_space<vmem>>, vector<16xi32>,
      %parallel_loop3A_615 = tpu.vector_load_idx %arg9[%parallel_loop3A_614] : memref<32768xf32, #tpu.memory_space<vmem>>[vector<16xi32>], vector<16xf32>,
      %parallel_loop3A_616 = arith.index_cast %parallel_loop3A_612 : i32 to index
      %parallel_loop3A_617 = tpu.vector_load %arg12[%parallel_loop3A_616] {strides = array<i32>} : memref<8192xf32, #tpu.memory_space<vmem>>, vector<16xf32>,
      tpu.vector_store %arg12[%parallel_loop3A_616], %parallel_loop3A_615 {strides = array<i32>} : memref<8192xf32, #tpu.memory_space<vmem>>, vector<16xf32>,
    } {sc.loop_unroll_factor = 8 : i64, sc.parallel_access}
    %add3A_175 = arith.constant 3 : i32
    %add3A_176 = arith.addi %mul3A_32, %add3A_175 : i32
    %dma_start3A_177 = arith.constant 0 : i32
    %dma_start3A_178 = tpu.memref_slice %arg5[%select_n3A, %add3A_176, %dma_start3A_177] : memref<8x64x8192xf32, #tpu.memory_space<hbm>> -> memref<1x1x8192xf32, #tpu.memory_space<hbm>>
    %dma_start3A_179 = tpu.memref_squeeze %dma_start3A_178 : memref<1x1x8192xf32, #tpu.memory_space<hbm>> -> memref<8192xf32, #tpu.memory_space<hbm>>
    %dma_start3A_180 = arith.constant 0 : i32
    %dma_start3A_181 = tpu.memref_slice %arg5[%select_n3A, %add3A_176, %dma_start3A_180] : memref<8x64x8192xf32, #tpu.memory_space<hbm>> -> memref<1x1x8192xf32, #tpu.memory_space<hbm>>
    %dma_start3A_182 = tpu.memref_squeeze %dma_start3A_181 : memref<1x1x8192xf32, #tpu.memory_space<hbm>> -> memref<8192xf32, #tpu.memory_space<hbm>>
    tpu.enqueue_dma source(%arg12 : memref<8192xf32, #tpu.memory_space<vmem>>) target(%dma_start3A_182 : memref<8192xf32, #tpu.memory_space<hbm>>) target_semaphore(%arg16 : memref<!tpu.dma_semaphore, #tpu.memory_space<semaphore_mem>>)
    %add3A_183 = arith.constant 4 : i32
    %add3A_184 = arith.addi %mul3A_32, %add3A_183 : i32
    %dma_wait3A_185 = arith.constant 0 : i32
    %dma_wait3A_186 = tpu.memref_slice %arg2[%select_n3A, %add3A_184, %dma_wait3A_185] : memref<8x64x32768xf32, #tpu.memory_space<hbm>> -> memref<1x1x32768xf32, #tpu.memory_space<hbm>>
    %dma_wait3A_187 = tpu.memref_squeeze %dma_wait3A_186 : memref<1x1x32768xf32, #tpu.memory_space<hbm>> -> memref<32768xf32, #tpu.memory_space<hbm>>
    %dma_wait3A_188 = arith.constant 0 : i32
    %dma_wait3A_189 = tpu.memref_slice %arg2[%select_n3A, %add3A_184, %dma_wait3A_188] : memref<8x64x32768xf32, #tpu.memory_space<hbm>> -> memref<1x1x32768xf32, #tpu.memory_space<hbm>>
    %dma_wait3A_190 = tpu.memref_squeeze %dma_wait3A_189 : memref<1x1x32768xf32, #tpu.memory_space<hbm>> -> memref<32768xf32, #tpu.memory_space<hbm>>
    tpu.wait_dma2 semaphore(%arg13 : memref<!tpu.dma_semaphore, #tpu.memory_space<semaphore_mem>>) src(%dma_wait3A_190 : memref<32768xf32, #tpu.memory_space<hbm>>) dst(%arg8 : memref<32768xf32, #tpu.memory_space<vmem>>)
    %add3A_191 = arith.constant 4 : i32
    %add3A_192 = arith.addi %mul3A_32, %add3A_191 : i32
    %add3A_193 = arith.constant 1 : i32
    %add3A_194 = arith.addi %add3A_192, %add3A_193 : i32
    %dma_start3A_195 = arith.constant 0 : i32
    %dma_start3A_196 = tpu.memref_slice %arg2[%select_n3A, %add3A_194, %dma_start3A_195] : memref<8x64x32768xf32, #tpu.memory_space<hbm>> -> memref<1x1x32768xf32, #tpu.memory_space<hbm>>
    %dma_start3A_197 = tpu.memref_squeeze %dma_start3A_196 : memref<1x1x32768xf32, #tpu.memory_space<hbm>> -> memref<32768xf32, #tpu.memory_space<hbm>>
    %dma_start3A_198 = arith.constant 0 : i32
    %dma_start3A_199 = tpu.memref_slice %arg2[%select_n3A, %add3A_194, %dma_start3A_198] : memref<8x64x32768xf32, #tpu.memory_space<hbm>> -> memref<1x1x32768xf32, #tpu.memory_space<hbm>>
    %dma_start3A_200 = tpu.memref_squeeze %dma_start3A_199 : memref<1x1x32768xf32, #tpu.memory_space<hbm>> -> memref<32768xf32, #tpu.memory_space<hbm>>
    tpu.enqueue_dma source(%dma_start3A_200 : memref<32768xf32, #tpu.memory_space<hbm>>) target(%arg9 : memref<32768xf32, #tpu.memory_space<vmem>>) target_semaphore(%arg14 : memref<!tpu.dma_semaphore, #tpu.memory_space<semaphore_mem>>)
    %dma_wait3A_201 = arith.constant 0 : i32
    %dma_wait3A_202 = tpu.memref_slice %arg5[%select_n3A, %add3A_141, %dma_wait3A_201] : memref<8x64x8192xf32, #tpu.memory_space<hbm>> -> memref<1x1x8192xf32, #tpu.memory_space<hbm>>
    %dma_wait3A_203 = tpu.memref_squeeze %dma_wait3A_202 : memref<1x1x8192xf32, #tpu.memory_space<hbm>> -> memref<8192xf32, #tpu.memory_space<hbm>>
    %dma_wait3A_204 = arith.constant 0 : i32
    %dma_wait3A_205 = tpu.memref_slice %arg5[%select_n3A, %add3A_141, %dma_wait3A_204] : memref<8x64x8192xf32, #tpu.memory_space<hbm>> -> memref<1x1x8192xf32, #tpu.memory_space<hbm>>
    %dma_wait3A_206 = tpu.memref_squeeze %dma_wait3A_205 : memref<1x1x8192xf32, #tpu.memory_space<hbm>> -> memref<8192xf32, #tpu.memory_space<hbm>>
    tpu.wait_dma2 semaphore(%arg15 : memref<!tpu.dma_semaphore, #tpu.memory_space<semaphore_mem>>) src(%arg11 : memref<8192xf32, #tpu.memory_space<vmem>>) dst(%dma_wait3A_206 : memref<8192xf32, #tpu.memory_space<hbm>>)
    %parallel_loop3A_207 = arith.constant 0 : i32
    %parallel_loop3A_208 = arith.constant 512 : i32
    %parallel_loop3A_209 = arith.constant 1 : i32
    scf.for %parallel_loop3A_610 = %parallel_loop3A_207 to %parallel_loop3A_208 step %parallel_loop3A_209  : i32 {
      %parallel_loop3A_611 = arith.constant 16 : i32
      %parallel_loop3A_612 = arith.muli %parallel_loop3A_610, %parallel_loop3A_611 : i32
      %parallel_loop3A_613 = arith.index_cast %parallel_loop3A_612 : i32 to index
      %parallel_loop3A_614 = tpu.vector_load %arg7[%parallel_loop3A_613] {strides = array<i32>} : memref<8192xi32, #tpu.memory_space<vmem>>, vector<16xi32>,
      %parallel_loop3A_615 = tpu.vector_load_idx %arg8[%parallel_loop3A_614] : memref<32768xf32, #tpu.memory_space<vmem>>[vector<16xi32>], vector<16xf32>,
      %parallel_loop3A_616 = arith.index_cast %parallel_loop3A_612 : i32 to index
      %parallel_loop3A_617 = tpu.vector_load %arg11[%parallel_loop3A_616] {strides = array<i32>} : memref<8192xf32, #tpu.memory_space<vmem>>, vector<16xf32>,
      tpu.vector_store %arg11[%parallel_loop3A_616], %parallel_loop3A_615 {strides = array<i32>} : memref<8192xf32, #tpu.memory_space<vmem>>, vector<16xf32>,
    } {sc.loop_unroll_factor = 8 : i64, sc.parallel_access}
    %add3A_210 = arith.constant 4 : i32
    %add3A_211 = arith.addi %mul3A_32, %add3A_210 : i32
    %dma_start3A_212 = arith.constant 0 : i32
    %dma_start3A_213 = tpu.memref_slice %arg5[%select_n3A, %add3A_211, %dma_start3A_212] : memref<8x64x8192xf32, #tpu.memory_space<hbm>> -> memref<1x1x8192xf32, #tpu.memory_space<hbm>>
    %dma_start3A_214 = tpu.memref_squeeze %dma_start3A_213 : memref<1x1x8192xf32, #tpu.memory_space<hbm>> -> memref<8192xf32, #tpu.memory_space<hbm>>
    %dma_start3A_215 = arith.constant 0 : i32
    %dma_start3A_216 = tpu.memref_slice %arg5[%select_n3A, %add3A_211, %dma_start3A_215] : memref<8x64x8192xf32, #tpu.memory_space<hbm>> -> memref<1x1x8192xf32, #tpu.memory_space<hbm>>
    %dma_start3A_217 = tpu.memref_squeeze %dma_start3A_216 : memref<1x1x8192xf32, #tpu.memory_space<hbm>> -> memref<8192xf32, #tpu.memory_space<hbm>>
    tpu.enqueue_dma source(%arg11 : memref<8192xf32, #tpu.memory_space<vmem>>) target(%dma_start3A_217 : memref<8192xf32, #tpu.memory_space<hbm>>) target_semaphore(%arg15 : memref<!tpu.dma_semaphore, #tpu.memory_space<semaphore_mem>>)
    %add3A_218 = arith.constant 5 : i32
    %add3A_219 = arith.addi %mul3A_32, %add3A_218 : i32
    %dma_wait3A_220 = arith.constant 0 : i32
    %dma_wait3A_221 = tpu.memref_slice %arg2[%select_n3A, %add3A_219, %dma_wait3A_220] : memref<8x64x32768xf32, #tpu.memory_space<hbm>> -> memref<1x1x32768xf32, #tpu.memory_space<hbm>>
    %dma_wait3A_222 = tpu.memref_squeeze %dma_wait3A_221 : memref<1x1x32768xf32, #tpu.memory_space<hbm>> -> memref<32768xf32, #tpu.memory_space<hbm>>
    %dma_wait3A_223 = arith.constant 0 : i32
    %dma_wait3A_224 = tpu.memref_slice %arg2[%select_n3A, %add3A_219, %dma_wait3A_223] : memref<8x64x32768xf32, #tpu.memory_space<hbm>> -> memref<1x1x32768xf32, #tpu.memory_space<hbm>>
    %dma_wait3A_225 = tpu.memref_squeeze %dma_wait3A_224 : memref<1x1x32768xf32, #tpu.memory_space<hbm>> -> memref<32768xf32, #tpu.memory_space<hbm>>
    tpu.wait_dma2 semaphore(%arg14 : memref<!tpu.dma_semaphore, #tpu.memory_space<semaphore_mem>>) src(%dma_wait3A_225 : memref<32768xf32, #tpu.memory_space<hbm>>) dst(%arg9 : memref<32768xf32, #tpu.memory_space<vmem>>)
    %add3A_226 = arith.constant 5 : i32
    %add3A_227 = arith.addi %mul3A_32, %add3A_226 : i32
    %add3A_228 = arith.constant 1 : i32
    %add3A_229 = arith.addi %add3A_227, %add3A_228 : i32
    %dma_start3A_230 = arith.constant 0 : i32
    %dma_start3A_231 = tpu.memref_slice %arg2[%select_n3A, %add3A_229, %dma_start3A_230] : memref<8x64x32768xf32, #tpu.memory_space<hbm>> -> memref<1x1x32768xf32, #tpu.memory_space<hbm>>
    %dma_start3A_232 = tpu.memref_squeeze %dma_start3A_231 : memref<1x1x32768xf32, #tpu.memory_space<hbm>> -> memref<32768xf32, #tpu.memory_space<hbm>>
    %dma_start3A_233 = arith.constant 0 : i32
    %dma_start3A_234 = tpu.memref_slice %arg2[%select_n3A, %add3A_229, %dma_start3A_233] : memref<8x64x32768xf32, #tpu.memory_space<hbm>> -> memref<1x1x32768xf32, #tpu.memory_space<hbm>>
    %dma_start3A_235 = tpu.memref_squeeze %dma_start3A_234 : memref<1x1x32768xf32, #tpu.memory_space<hbm>> -> memref<32768xf32, #tpu.memory_space<hbm>>
    tpu.enqueue_dma source(%dma_start3A_235 : memref<32768xf32, #tpu.memory_space<hbm>>) target(%arg8 : memref<32768xf32, #tpu.memory_space<vmem>>) target_semaphore(%arg13 : memref<!tpu.dma_semaphore, #tpu.memory_space<semaphore_mem>>)
    %dma_wait3A_236 = arith.constant 0 : i32
    %dma_wait3A_237 = tpu.memref_slice %arg5[%select_n3A, %add3A_176, %dma_wait3A_236] : memref<8x64x8192xf32, #tpu.memory_space<hbm>> -> memref<1x1x8192xf32, #tpu.memory_space<hbm>>
    %dma_wait3A_238 = tpu.memref_squeeze %dma_wait3A_237 : memref<1x1x8192xf32, #tpu.memory_space<hbm>> -> memref<8192xf32, #tpu.memory_space<hbm>>
    %dma_wait3A_239 = arith.constant 0 : i32
    %dma_wait3A_240 = tpu.memref_slice %arg5[%select_n3A, %add3A_176, %dma_wait3A_239] : memref<8x64x8192xf32, #tpu.memory_space<hbm>> -> memref<1x1x8192xf32, #tpu.memory_space<hbm>>
    %dma_wait3A_241 = tpu.memref_squeeze %dma_wait3A_240 : memref<1x1x8192xf32, #tpu.memory_space<hbm>> -> memref<8192xf32, #tpu.memory_space<hbm>>
    tpu.wait_dma2 semaphore(%arg16 : memref<!tpu.dma_semaphore, #tpu.memory_space<semaphore_mem>>) src(%arg12 : memref<8192xf32, #tpu.memory_space<vmem>>) dst(%dma_wait3A_241 : memref<8192xf32, #tpu.memory_space<hbm>>)
    %parallel_loop3A_242 = arith.constant 0 : i32
    %parallel_loop3A_243 = arith.constant 512 : i32
    %parallel_loop3A_244 = arith.constant 1 : i32
    scf.for %parallel_loop3A_610 = %parallel_loop3A_242 to %parallel_loop3A_243 step %parallel_loop3A_244  : i32 {
      %parallel_loop3A_611 = arith.constant 16 : i32
      %parallel_loop3A_612 = arith.muli %parallel_loop3A_610, %parallel_loop3A_611 : i32
      %parallel_loop3A_613 = arith.index_cast %parallel_loop3A_612 : i32 to index
      %parallel_loop3A_614 = tpu.vector_load %arg7[%parallel_loop3A_613] {strides = array<i32>} : memref<8192xi32, #tpu.memory_space<vmem>>, vector<16xi32>,
      %parallel_loop3A_615 = tpu.vector_load_idx %arg9[%parallel_loop3A_614] : memref<32768xf32, #tpu.memory_space<vmem>>[vector<16xi32>], vector<16xf32>,
      %parallel_loop3A_616 = arith.index_cast %parallel_loop3A_612 : i32 to index
      %parallel_loop3A_617 = tpu.vector_load %arg12[%parallel_loop3A_616] {strides = array<i32>} : memref<8192xf32, #tpu.memory_space<vmem>>, vector<16xf32>,
      tpu.vector_store %arg12[%parallel_loop3A_616], %parallel_loop3A_615 {strides = array<i32>} : memref<8192xf32, #tpu.memory_space<vmem>>, vector<16xf32>,
    } {sc.loop_unroll_factor = 8 : i64, sc.parallel_access}
    %add3A_245 = arith.constant 5 : i32
    %add3A_246 = arith.addi %mul3A_32, %add3A_245 : i32
    %dma_start3A_247 = arith.constant 0 : i32
    %dma_start3A_248 = tpu.memref_slice %arg5[%select_n3A, %add3A_246, %dma_start3A_247] : memref<8x64x8192xf32, #tpu.memory_space<hbm>> -> memref<1x1x8192xf32, #tpu.memory_space<hbm>>
    %dma_start3A_249 = tpu.memref_squeeze %dma_start3A_248 : memref<1x1x8192xf32, #tpu.memory_space<hbm>> -> memref<8192xf32, #tpu.memory_space<hbm>>
    %dma_start3A_250 = arith.constant 0 : i32
    %dma_start3A_251 = tpu.memref_slice %arg5[%select_n3A, %add3A_246, %dma_start3A_250] : memref<8x64x8192xf32, #tpu.memory_space<hbm>> -> memref<1x1x8192xf32, #tpu.memory_space<hbm>>
    %dma_start3A_252 = tpu.memref_squeeze %dma_start3A_251 : memref<1x1x8192xf32, #tpu.memory_space<hbm>> -> memref<8192xf32, #tpu.memory_space<hbm>>
    tpu.enqueue_dma source(%arg12 : memref<8192xf32, #tpu.memory_space<vmem>>) target(%dma_start3A_252 : memref<8192xf32, #tpu.memory_space<hbm>>) target_semaphore(%arg16 : memref<!tpu.dma_semaphore, #tpu.memory_space<semaphore_mem>>)
    %add3A_253 = arith.constant 6 : i32
    %add3A_254 = arith.addi %mul3A_32, %add3A_253 : i32
    %dma_wait3A_255 = arith.constant 0 : i32
    %dma_wait3A_256 = tpu.memref_slice %arg2[%select_n3A, %add3A_254, %dma_wait3A_255] : memref<8x64x32768xf32, #tpu.memory_space<hbm>> -> memref<1x1x32768xf32, #tpu.memory_space<hbm>>
    %dma_wait3A_257 = tpu.memref_squeeze %dma_wait3A_256 : memref<1x1x32768xf32, #tpu.memory_space<hbm>> -> memref<32768xf32, #tpu.memory_space<hbm>>
    %dma_wait3A_258 = arith.constant 0 : i32
    %dma_wait3A_259 = tpu.memref_slice %arg2[%select_n3A, %add3A_254, %dma_wait3A_258] : memref<8x64x32768xf32, #tpu.memory_space<hbm>> -> memref<1x1x32768xf32, #tpu.memory_space<hbm>>
    %dma_wait3A_260 = tpu.memref_squeeze %dma_wait3A_259 : memref<1x1x32768xf32, #tpu.memory_space<hbm>> -> memref<32768xf32, #tpu.memory_space<hbm>>
    tpu.wait_dma2 semaphore(%arg13 : memref<!tpu.dma_semaphore, #tpu.memory_space<semaphore_mem>>) src(%dma_wait3A_260 : memref<32768xf32, #tpu.memory_space<hbm>>) dst(%arg8 : memref<32768xf32, #tpu.memory_space<vmem>>)
    %add3A_261 = arith.constant 6 : i32
    %add3A_262 = arith.addi %mul3A_32, %add3A_261 : i32
    %add3A_263 = arith.constant 1 : i32
    %add3A_264 = arith.addi %add3A_262, %add3A_263 : i32
    %dma_start3A_265 = arith.constant 0 : i32
    %dma_start3A_266 = tpu.memref_slice %arg2[%select_n3A, %add3A_264, %dma_start3A_265] : memref<8x64x32768xf32, #tpu.memory_space<hbm>> -> memref<1x1x32768xf32, #tpu.memory_space<hbm>>
    %dma_start3A_267 = tpu.memref_squeeze %dma_start3A_266 : memref<1x1x32768xf32, #tpu.memory_space<hbm>> -> memref<32768xf32, #tpu.memory_space<hbm>>
    %dma_start3A_268 = arith.constant 0 : i32
    %dma_start3A_269 = tpu.memref_slice %arg2[%select_n3A, %add3A_264, %dma_start3A_268] : memref<8x64x32768xf32, #tpu.memory_space<hbm>> -> memref<1x1x32768xf32, #tpu.memory_space<hbm>>
    %dma_start3A_270 = tpu.memref_squeeze %dma_start3A_269 : memref<1x1x32768xf32, #tpu.memory_space<hbm>> -> memref<32768xf32, #tpu.memory_space<hbm>>
    tpu.enqueue_dma source(%dma_start3A_270 : memref<32768xf32, #tpu.memory_space<hbm>>) target(%arg9 : memref<32768xf32, #tpu.memory_space<vmem>>) target_semaphore(%arg14 : memref<!tpu.dma_semaphore, #tpu.memory_space<semaphore_mem>>)
    %dma_wait3A_271 = arith.constant 0 : i32
    %dma_wait3A_272 = tpu.memref_slice %arg5[%select_n3A, %add3A_211, %dma_wait3A_271] : memref<8x64x8192xf32, #tpu.memory_space<hbm>> -> memref<1x1x8192xf32, #tpu.memory_space<hbm>>
    %dma_wait3A_273 = tpu.memref_squeeze %dma_wait3A_272 : memref<1x1x8192xf32, #tpu.memory_space<hbm>> -> memref<8192xf32, #tpu.memory_space<hbm>>
    %dma_wait3A_274 = arith.constant 0 : i32
    %dma_wait3A_275 = tpu.memref_slice %arg5[%select_n3A, %add3A_211, %dma_wait3A_274] : memref<8x64x8192xf32, #tpu.memory_space<hbm>> -> memref<1x1x8192xf32, #tpu.memory_space<hbm>>
    %dma_wait3A_276 = tpu.memref_squeeze %dma_wait3A_275 : memref<1x1x8192xf32, #tpu.memory_space<hbm>> -> memref<8192xf32, #tpu.memory_space<hbm>>
    tpu.wait_dma2 semaphore(%arg15 : memref<!tpu.dma_semaphore, #tpu.memory_space<semaphore_mem>>) src(%arg11 : memref<8192xf32, #tpu.memory_space<vmem>>) dst(%dma_wait3A_276 : memref<8192xf32, #tpu.memory_space<hbm>>)
    %parallel_loop3A_277 = arith.constant 0 : i32
    %parallel_loop3A_278 = arith.constant 512 : i32
    %parallel_loop3A_279 = arith.constant 1 : i32
    scf.for %parallel_loop3A_610 = %parallel_loop3A_277 to %parallel_loop3A_278 step %parallel_loop3A_279  : i32 {
      %parallel_loop3A_611 = arith.constant 16 : i32
      %parallel_loop3A_612 = arith.muli %parallel_loop3A_610, %parallel_loop3A_611 : i32
      %parallel_loop3A_613 = arith.index_cast %parallel_loop3A_612 : i32 to index
      %parallel_loop3A_614 = tpu.vector_load %arg7[%parallel_loop3A_613] {strides = array<i32>} : memref<8192xi32, #tpu.memory_space<vmem>>, vector<16xi32>,
      %parallel_loop3A_615 = tpu.vector_load_idx %arg8[%parallel_loop3A_614] : memref<32768xf32, #tpu.memory_space<vmem>>[vector<16xi32>], vector<16xf32>,
      %parallel_loop3A_616 = arith.index_cast %parallel_loop3A_612 : i32 to index
      %parallel_loop3A_617 = tpu.vector_load %arg11[%parallel_loop3A_616] {strides = array<i32>} : memref<8192xf32, #tpu.memory_space<vmem>>, vector<16xf32>,
      tpu.vector_store %arg11[%parallel_loop3A_616], %parallel_loop3A_615 {strides = array<i32>} : memref<8192xf32, #tpu.memory_space<vmem>>, vector<16xf32>,
    } {sc.loop_unroll_factor = 8 : i64, sc.parallel_access}
    %add3A_280 = arith.constant 6 : i32
    %add3A_281 = arith.addi %mul3A_32, %add3A_280 : i32
    %dma_start3A_282 = arith.constant 0 : i32
    %dma_start3A_283 = tpu.memref_slice %arg5[%select_n3A, %add3A_281, %dma_start3A_282] : memref<8x64x8192xf32, #tpu.memory_space<hbm>> -> memref<1x1x8192xf32, #tpu.memory_space<hbm>>
    %dma_start3A_284 = tpu.memref_squeeze %dma_start3A_283 : memref<1x1x8192xf32, #tpu.memory_space<hbm>> -> memref<8192xf32, #tpu.memory_space<hbm>>
    %dma_start3A_285 = arith.constant 0 : i32
    %dma_start3A_286 = tpu.memref_slice %arg5[%select_n3A, %add3A_281, %dma_start3A_285] : memref<8x64x8192xf32, #tpu.memory_space<hbm>> -> memref<1x1x8192xf32, #tpu.memory_space<hbm>>
    %dma_start3A_287 = tpu.memref_squeeze %dma_start3A_286 : memref<1x1x8192xf32, #tpu.memory_space<hbm>> -> memref<8192xf32, #tpu.memory_space<hbm>>
    tpu.enqueue_dma source(%arg11 : memref<8192xf32, #tpu.memory_space<vmem>>) target(%dma_start3A_287 : memref<8192xf32, #tpu.memory_space<hbm>>) target_semaphore(%arg15 : memref<!tpu.dma_semaphore, #tpu.memory_space<semaphore_mem>>)
    %add3A_288 = arith.constant 7 : i32
    %add3A_289 = arith.addi %mul3A_32, %add3A_288 : i32
    %dma_wait3A_290 = arith.constant 0 : i32
    %dma_wait3A_291 = tpu.memref_slice %arg2[%select_n3A, %add3A_289, %dma_wait3A_290] : memref<8x64x32768xf32, #tpu.memory_space<hbm>> -> memref<1x1x32768xf32, #tpu.memory_space<hbm>>
    %dma_wait3A_292 = tpu.memref_squeeze %dma_wait3A_291 : memref<1x1x32768xf32, #tpu.memory_space<hbm>> -> memref<32768xf32, #tpu.memory_space<hbm>>
    %dma_wait3A_293 = arith.constant 0 : i32
    %dma_wait3A_294 = tpu.memref_slice %arg2[%select_n3A, %add3A_289, %dma_wait3A_293] : memref<8x64x32768xf32, #tpu.memory_space<hbm>> -> memref<1x1x32768xf32, #tpu.memory_space<hbm>>
    %dma_wait3A_295 = tpu.memref_squeeze %dma_wait3A_294 : memref<1x1x32768xf32, #tpu.memory_space<hbm>> -> memref<32768xf32, #tpu.memory_space<hbm>>
    tpu.wait_dma2 semaphore(%arg14 : memref<!tpu.dma_semaphore, #tpu.memory_space<semaphore_mem>>) src(%dma_wait3A_295 : memref<32768xf32, #tpu.memory_space<hbm>>) dst(%arg9 : memref<32768xf32, #tpu.memory_space<vmem>>)
    %add3A_296 = arith.constant 7 : i32
    %add3A_297 = arith.addi %mul3A_32, %add3A_296 : i32
    %add3A_298 = arith.constant 1 : i32
    %add3A_299 = arith.addi %add3A_297, %add3A_298 : i32
    %dma_start3A_300 = arith.constant 0 : i32
    %dma_start3A_301 = tpu.memref_slice %arg2[%select_n3A, %add3A_299, %dma_start3A_300] : memref<8x64x32768xf32, #tpu.memory_space<hbm>> -> memref<1x1x32768xf32, #tpu.memory_space<hbm>>
    %dma_start3A_302 = tpu.memref_squeeze %dma_start3A_301 : memref<1x1x32768xf32, #tpu.memory_space<hbm>> -> memref<32768xf32, #tpu.memory_space<hbm>>
    %dma_start3A_303 = arith.constant 0 : i32
    %dma_start3A_304 = tpu.memref_slice %arg2[%select_n3A, %add3A_299, %dma_start3A_303] : memref<8x64x32768xf32, #tpu.memory_space<hbm>> -> memref<1x1x32768xf32, #tpu.memory_space<hbm>>
    %dma_start3A_305 = tpu.memref_squeeze %dma_start3A_304 : memref<1x1x32768xf32, #tpu.memory_space<hbm>> -> memref<32768xf32, #tpu.memory_space<hbm>>
    tpu.enqueue_dma source(%dma_start3A_305 : memref<32768xf32, #tpu.memory_space<hbm>>) target(%arg8 : memref<32768xf32, #tpu.memory_space<vmem>>) target_semaphore(%arg13 : memref<!tpu.dma_semaphore, #tpu.memory_space<semaphore_mem>>)
    %dma_wait3A_306 = arith.constant 0 : i32
    %dma_wait3A_307 = tpu.memref_slice %arg5[%select_n3A, %add3A_246, %dma_wait3A_306] : memref<8x64x8192xf32, #tpu.memory_space<hbm>> -> memref<1x1x8192xf32, #tpu.memory_space<hbm>>
    %dma_wait3A_308 = tpu.memref_squeeze %dma_wait3A_307 : memref<1x1x8192xf32, #tpu.memory_space<hbm>> -> memref<8192xf32, #tpu.memory_space<hbm>>
    %dma_wait3A_309 = arith.constant 0 : i32
    %dma_wait3A_310 = tpu.memref_slice %arg5[%select_n3A, %add3A_246, %dma_wait3A_309] : memref<8x64x8192xf32, #tpu.memory_space<hbm>> -> memref<1x1x8192xf32, #tpu.memory_space<hbm>>
    %dma_wait3A_311 = tpu.memref_squeeze %dma_wait3A_310 : memref<1x1x8192xf32, #tpu.memory_space<hbm>> -> memref<8192xf32, #tpu.memory_space<hbm>>
    tpu.wait_dma2 semaphore(%arg16 : memref<!tpu.dma_semaphore, #tpu.memory_space<semaphore_mem>>) src(%arg12 : memref<8192xf32, #tpu.memory_space<vmem>>) dst(%dma_wait3A_311 : memref<8192xf32, #tpu.memory_space<hbm>>)
    %parallel_loop3A_312 = arith.constant 0 : i32
    %parallel_loop3A_313 = arith.constant 512 : i32
    %parallel_loop3A_314 = arith.constant 1 : i32
    scf.for %parallel_loop3A_610 = %parallel_loop3A_312 to %parallel_loop3A_313 step %parallel_loop3A_314  : i32 {
      %parallel_loop3A_611 = arith.constant 16 : i32
      %parallel_loop3A_612 = arith.muli %parallel_loop3A_610, %parallel_loop3A_611 : i32
      %parallel_loop3A_613 = arith.index_cast %parallel_loop3A_612 : i32 to index
      %parallel_loop3A_614 = tpu.vector_load %arg7[%parallel_loop3A_613] {strides = array<i32>} : memref<8192xi32, #tpu.memory_space<vmem>>, vector<16xi32>,
      %parallel_loop3A_615 = tpu.vector_load_idx %arg9[%parallel_loop3A_614] : memref<32768xf32, #tpu.memory_space<vmem>>[vector<16xi32>], vector<16xf32>,
      %parallel_loop3A_616 = arith.index_cast %parallel_loop3A_612 : i32 to index
      %parallel_loop3A_617 = tpu.vector_load %arg12[%parallel_loop3A_616] {strides = array<i32>} : memref<8192xf32, #tpu.memory_space<vmem>>, vector<16xf32>,
      tpu.vector_store %arg12[%parallel_loop3A_616], %parallel_loop3A_615 {strides = array<i32>} : memref<8192xf32, #tpu.memory_space<vmem>>, vector<16xf32>,
    } {sc.loop_unroll_factor = 8 : i64, sc.parallel_access}
    %add3A_315 = arith.constant 7 : i32
    %add3A_316 = arith.addi %mul3A_32, %add3A_315 : i32
    %dma_start3A_317 = arith.constant 0 : i32
    %dma_start3A_318 = tpu.memref_slice %arg5[%select_n3A, %add3A_316, %dma_start3A_317] : memref<8x64x8192xf32, #tpu.memory_space<hbm>> -> memref<1x1x8192xf32, #tpu.memory_space<hbm>>
    %dma_start3A_319 = tpu.memref_squeeze %dma_start3A_318 : memref<1x1x8192xf32, #tpu.memory_space<hbm>> -> memref<8192xf32, #tpu.memory_space<hbm>>
    %dma_start3A_320 = arith.constant 0 : i32
    %dma_start3A_321 = tpu.memref_slice %arg5[%select_n3A, %add3A_316, %dma_start3A_320] : memref<8x64x8192xf32, #tpu.memory_space<hbm>> -> memref<1x1x8192xf32, #tpu.memory_space<hbm>>
    %dma_start3A_322 = tpu.memref_squeeze %dma_start3A_321 : memref<1x1x8192xf32, #tpu.memory_space<hbm>> -> memref<8192xf32, #tpu.memory_space<hbm>>
    tpu.enqueue_dma source(%arg12 : memref<8192xf32, #tpu.memory_space<vmem>>) target(%dma_start3A_322 : memref<8192xf32, #tpu.memory_space<hbm>>) target_semaphore(%arg16 : memref<!tpu.dma_semaphore, #tpu.memory_space<semaphore_mem>>)
    %add3A_323 = arith.constant 8 : i32
    %add3A_324 = arith.addi %mul3A_32, %add3A_323 : i32
    %dma_wait3A_325 = arith.constant 0 : i32
    %dma_wait3A_326 = tpu.memref_slice %arg2[%select_n3A, %add3A_324, %dma_wait3A_325] : memref<8x64x32768xf32, #tpu.memory_space<hbm>> -> memref<1x1x32768xf32, #tpu.memory_space<hbm>>
    %dma_wait3A_327 = tpu.memref_squeeze %dma_wait3A_326 : memref<1x1x32768xf32, #tpu.memory_space<hbm>> -> memref<32768xf32, #tpu.memory_space<hbm>>
    %dma_wait3A_328 = arith.constant 0 : i32
    %dma_wait3A_329 = tpu.memref_slice %arg2[%select_n3A, %add3A_324, %dma_wait3A_328] : memref<8x64x32768xf32, #tpu.memory_space<hbm>> -> memref<1x1x32768xf32, #tpu.memory_space<hbm>>
    %dma_wait3A_330 = tpu.memref_squeeze %dma_wait3A_329 : memref<1x1x32768xf32, #tpu.memory_space<hbm>> -> memref<32768xf32, #tpu.memory_space<hbm>>
    tpu.wait_dma2 semaphore(%arg13 : memref<!tpu.dma_semaphore, #tpu.memory_space<semaphore_mem>>) src(%dma_wait3A_330 : memref<32768xf32, #tpu.memory_space<hbm>>) dst(%arg8 : memref<32768xf32, #tpu.memory_space<vmem>>)
    %add3A_331 = arith.constant 8 : i32
    %add3A_332 = arith.addi %mul3A_32, %add3A_331 : i32
    %add3A_333 = arith.constant 1 : i32
    %add3A_334 = arith.addi %add3A_332, %add3A_333 : i32
    %dma_start3A_335 = arith.constant 0 : i32
    %dma_start3A_336 = tpu.memref_slice %arg2[%select_n3A, %add3A_334, %dma_start3A_335] : memref<8x64x32768xf32, #tpu.memory_space<hbm>> -> memref<1x1x32768xf32, #tpu.memory_space<hbm>>
    %dma_start3A_337 = tpu.memref_squeeze %dma_start3A_336 : memref<1x1x32768xf32, #tpu.memory_space<hbm>> -> memref<32768xf32, #tpu.memory_space<hbm>>
    %dma_start3A_338 = arith.constant 0 : i32
    %dma_start3A_339 = tpu.memref_slice %arg2[%select_n3A, %add3A_334, %dma_start3A_338] : memref<8x64x32768xf32, #tpu.memory_space<hbm>> -> memref<1x1x32768xf32, #tpu.memory_space<hbm>>
    %dma_start3A_340 = tpu.memref_squeeze %dma_start3A_339 : memref<1x1x32768xf32, #tpu.memory_space<hbm>> -> memref<32768xf32, #tpu.memory_space<hbm>>
    tpu.enqueue_dma source(%dma_start3A_340 : memref<32768xf32, #tpu.memory_space<hbm>>) target(%arg9 : memref<32768xf32, #tpu.memory_space<vmem>>) target_semaphore(%arg14 : memref<!tpu.dma_semaphore, #tpu.memory_space<semaphore_mem>>)
    %dma_wait3A_341 = arith.constant 0 : i32
    %dma_wait3A_342 = tpu.memref_slice %arg5[%select_n3A, %add3A_281, %dma_wait3A_341] : memref<8x64x8192xf32, #tpu.memory_space<hbm>> -> memref<1x1x8192xf32, #tpu.memory_space<hbm>>
    %dma_wait3A_343 = tpu.memref_squeeze %dma_wait3A_342 : memref<1x1x8192xf32, #tpu.memory_space<hbm>> -> memref<8192xf32, #tpu.memory_space<hbm>>
    %dma_wait3A_344 = arith.constant 0 : i32
    %dma_wait3A_345 = tpu.memref_slice %arg5[%select_n3A, %add3A_281, %dma_wait3A_344] : memref<8x64x8192xf32, #tpu.memory_space<hbm>> -> memref<1x1x8192xf32, #tpu.memory_space<hbm>>
    %dma_wait3A_346 = tpu.memref_squeeze %dma_wait3A_345 : memref<1x1x8192xf32, #tpu.memory_space<hbm>> -> memref<8192xf32, #tpu.memory_space<hbm>>
    tpu.wait_dma2 semaphore(%arg15 : memref<!tpu.dma_semaphore, #tpu.memory_space<semaphore_mem>>) src(%arg11 : memref<8192xf32, #tpu.memory_space<vmem>>) dst(%dma_wait3A_346 : memref<8192xf32, #tpu.memory_space<hbm>>)
    %parallel_loop3A_347 = arith.constant 0 : i32
    %parallel_loop3A_348 = arith.constant 512 : i32
    %parallel_loop3A_349 = arith.constant 1 : i32
    scf.for %parallel_loop3A_610 = %parallel_loop3A_347 to %parallel_loop3A_348 step %parallel_loop3A_349  : i32 {
      %parallel_loop3A_611 = arith.constant 16 : i32
      %parallel_loop3A_612 = arith.muli %parallel_loop3A_610, %parallel_loop3A_611 : i32
      %parallel_loop3A_613 = arith.index_cast %parallel_loop3A_612 : i32 to index
      %parallel_loop3A_614 = tpu.vector_load %arg7[%parallel_loop3A_613] {strides = array<i32>} : memref<8192xi32, #tpu.memory_space<vmem>>, vector<16xi32>,
      %parallel_loop3A_615 = tpu.vector_load_idx %arg8[%parallel_loop3A_614] : memref<32768xf32, #tpu.memory_space<vmem>>[vector<16xi32>], vector<16xf32>,
      %parallel_loop3A_616 = arith.index_cast %parallel_loop3A_612 : i32 to index
      %parallel_loop3A_617 = tpu.vector_load %arg11[%parallel_loop3A_616] {strides = array<i32>} : memref<8192xf32, #tpu.memory_space<vmem>>, vector<16xf32>,
      tpu.vector_store %arg11[%parallel_loop3A_616], %parallel_loop3A_615 {strides = array<i32>} : memref<8192xf32, #tpu.memory_space<vmem>>, vector<16xf32>,
    } {sc.loop_unroll_factor = 8 : i64, sc.parallel_access}
    %add3A_350 = arith.constant 8 : i32
    %add3A_351 = arith.addi %mul3A_32, %add3A_350 : i32
    %dma_start3A_352 = arith.constant 0 : i32
    %dma_start3A_353 = tpu.memref_slice %arg5[%select_n3A, %add3A_351, %dma_start3A_352] : memref<8x64x8192xf32, #tpu.memory_space<hbm>> -> memref<1x1x8192xf32, #tpu.memory_space<hbm>>
    %dma_start3A_354 = tpu.memref_squeeze %dma_start3A_353 : memref<1x1x8192xf32, #tpu.memory_space<hbm>> -> memref<8192xf32, #tpu.memory_space<hbm>>
    %dma_start3A_355 = arith.constant 0 : i32
    %dma_start3A_356 = tpu.memref_slice %arg5[%select_n3A, %add3A_351, %dma_start3A_355] : memref<8x64x8192xf32, #tpu.memory_space<hbm>> -> memref<1x1x8192xf32, #tpu.memory_space<hbm>>
    %dma_start3A_357 = tpu.memref_squeeze %dma_start3A_356 : memref<1x1x8192xf32, #tpu.memory_space<hbm>> -> memref<8192xf32, #tpu.memory_space<hbm>>
    tpu.enqueue_dma source(%arg11 : memref<8192xf32, #tpu.memory_space<vmem>>) target(%dma_start3A_357 : memref<8192xf32, #tpu.memory_space<hbm>>) target_semaphore(%arg15 : memref<!tpu.dma_semaphore, #tpu.memory_space<semaphore_mem>>)
    %add3A_358 = arith.constant 9 : i32
    %add3A_359 = arith.addi %mul3A_32, %add3A_358 : i32
    %dma_wait3A_360 = arith.constant 0 : i32
    %dma_wait3A_361 = tpu.memref_slice %arg2[%select_n3A, %add3A_359, %dma_wait3A_360] : memref<8x64x32768xf32, #tpu.memory_space<hbm>> -> memref<1x1x32768xf32, #tpu.memory_space<hbm>>
    %dma_wait3A_362 = tpu.memref_squeeze %dma_wait3A_361 : memref<1x1x32768xf32, #tpu.memory_space<hbm>> -> memref<32768xf32, #tpu.memory_space<hbm>>
    %dma_wait3A_363 = arith.constant 0 : i32
    %dma_wait3A_364 = tpu.memref_slice %arg2[%select_n3A, %add3A_359, %dma_wait3A_363] : memref<8x64x32768xf32, #tpu.memory_space<hbm>> -> memref<1x1x32768xf32, #tpu.memory_space<hbm>>
    %dma_wait3A_365 = tpu.memref_squeeze %dma_wait3A_364 : memref<1x1x32768xf32, #tpu.memory_space<hbm>> -> memref<32768xf32, #tpu.memory_space<hbm>>
    tpu.wait_dma2 semaphore(%arg14 : memref<!tpu.dma_semaphore, #tpu.memory_space<semaphore_mem>>) src(%dma_wait3A_365 : memref<32768xf32, #tpu.memory_space<hbm>>) dst(%arg9 : memref<32768xf32, #tpu.memory_space<vmem>>)
    %add3A_366 = arith.constant 9 : i32
    %add3A_367 = arith.addi %mul3A_32, %add3A_366 : i32
    %add3A_368 = arith.constant 1 : i32
    %add3A_369 = arith.addi %add3A_367, %add3A_368 : i32
    %dma_start3A_370 = arith.constant 0 : i32
    %dma_start3A_371 = tpu.memref_slice %arg2[%select_n3A, %add3A_369, %dma_start3A_370] : memref<8x64x32768xf32, #tpu.memory_space<hbm>> -> memref<1x1x32768xf32, #tpu.memory_space<hbm>>
    %dma_start3A_372 = tpu.memref_squeeze %dma_start3A_371 : memref<1x1x32768xf32, #tpu.memory_space<hbm>> -> memref<32768xf32, #tpu.memory_space<hbm>>
    %dma_start3A_373 = arith.constant 0 : i32
    %dma_start3A_374 = tpu.memref_slice %arg2[%select_n3A, %add3A_369, %dma_start3A_373] : memref<8x64x32768xf32, #tpu.memory_space<hbm>> -> memref<1x1x32768xf32, #tpu.memory_space<hbm>>
    %dma_start3A_375 = tpu.memref_squeeze %dma_start3A_374 : memref<1x1x32768xf32, #tpu.memory_space<hbm>> -> memref<32768xf32, #tpu.memory_space<hbm>>
    tpu.enqueue_dma source(%dma_start3A_375 : memref<32768xf32, #tpu.memory_space<hbm>>) target(%arg8 : memref<32768xf32, #tpu.memory_space<vmem>>) target_semaphore(%arg13 : memref<!tpu.dma_semaphore, #tpu.memory_space<semaphore_mem>>)
    %dma_wait3A_376 = arith.constant 0 : i32
    %dma_wait3A_377 = tpu.memref_slice %arg5[%select_n3A, %add3A_316, %dma_wait3A_376] : memref<8x64x8192xf32, #tpu.memory_space<hbm>> -> memref<1x1x8192xf32, #tpu.memory_space<hbm>>
    %dma_wait3A_378 = tpu.memref_squeeze %dma_wait3A_377 : memref<1x1x8192xf32, #tpu.memory_space<hbm>> -> memref<8192xf32, #tpu.memory_space<hbm>>
    %dma_wait3A_379 = arith.constant 0 : i32
    %dma_wait3A_380 = tpu.memref_slice %arg5[%select_n3A, %add3A_316, %dma_wait3A_379] : memref<8x64x8192xf32, #tpu.memory_space<hbm>> -> memref<1x1x8192xf32, #tpu.memory_space<hbm>>
    %dma_wait3A_381 = tpu.memref_squeeze %dma_wait3A_380 : memref<1x1x8192xf32, #tpu.memory_space<hbm>> -> memref<8192xf32, #tpu.memory_space<hbm>>
    tpu.wait_dma2 semaphore(%arg16 : memref<!tpu.dma_semaphore, #tpu.memory_space<semaphore_mem>>) src(%arg12 : memref<8192xf32, #tpu.memory_space<vmem>>) dst(%dma_wait3A_381 : memref<8192xf32, #tpu.memory_space<hbm>>)
    %parallel_loop3A_382 = arith.constant 0 : i32
    %parallel_loop3A_383 = arith.constant 512 : i32
    %parallel_loop3A_384 = arith.constant 1 : i32
    scf.for %parallel_loop3A_610 = %parallel_loop3A_382 to %parallel_loop3A_383 step %parallel_loop3A_384  : i32 {
      %parallel_loop3A_611 = arith.constant 16 : i32
      %parallel_loop3A_612 = arith.muli %parallel_loop3A_610, %parallel_loop3A_611 : i32
      %parallel_loop3A_613 = arith.index_cast %parallel_loop3A_612 : i32 to index
      %parallel_loop3A_614 = tpu.vector_load %arg7[%parallel_loop3A_613] {strides = array<i32>} : memref<8192xi32, #tpu.memory_space<vmem>>, vector<16xi32>,
      %parallel_loop3A_615 = tpu.vector_load_idx %arg9[%parallel_loop3A_614] : memref<32768xf32, #tpu.memory_space<vmem>>[vector<16xi32>], vector<16xf32>,
      %parallel_loop3A_616 = arith.index_cast %parallel_loop3A_612 : i32 to index
      %parallel_loop3A_617 = tpu.vector_load %arg12[%parallel_loop3A_616] {strides = array<i32>} : memref<8192xf32, #tpu.memory_space<vmem>>, vector<16xf32>,
      tpu.vector_store %arg12[%parallel_loop3A_616], %parallel_loop3A_615 {strides = array<i32>} : memref<8192xf32, #tpu.memory_space<vmem>>, vector<16xf32>,
    } {sc.loop_unroll_factor = 8 : i64, sc.parallel_access}
    %add3A_385 = arith.constant 9 : i32
    %add3A_386 = arith.addi %mul3A_32, %add3A_385 : i32
    %dma_start3A_387 = arith.constant 0 : i32
    %dma_start3A_388 = tpu.memref_slice %arg5[%select_n3A, %add3A_386, %dma_start3A_387] : memref<8x64x8192xf32, #tpu.memory_space<hbm>> -> memref<1x1x8192xf32, #tpu.memory_space<hbm>>
    %dma_start3A_389 = tpu.memref_squeeze %dma_start3A_388 : memref<1x1x8192xf32, #tpu.memory_space<hbm>> -> memref<8192xf32, #tpu.memory_space<hbm>>
    %dma_start3A_390 = arith.constant 0 : i32
    %dma_start3A_391 = tpu.memref_slice %arg5[%select_n3A, %add3A_386, %dma_start3A_390] : memref<8x64x8192xf32, #tpu.memory_space<hbm>> -> memref<1x1x8192xf32, #tpu.memory_space<hbm>>
    %dma_start3A_392 = tpu.memref_squeeze %dma_start3A_391 : memref<1x1x8192xf32, #tpu.memory_space<hbm>> -> memref<8192xf32, #tpu.memory_space<hbm>>
    tpu.enqueue_dma source(%arg12 : memref<8192xf32, #tpu.memory_space<vmem>>) target(%dma_start3A_392 : memref<8192xf32, #tpu.memory_space<hbm>>) target_semaphore(%arg16 : memref<!tpu.dma_semaphore, #tpu.memory_space<semaphore_mem>>)
    %add3A_393 = arith.constant 10 : i32
    %add3A_394 = arith.addi %mul3A_32, %add3A_393 : i32
    %dma_wait3A_395 = arith.constant 0 : i32
    %dma_wait3A_396 = tpu.memref_slice %arg2[%select_n3A, %add3A_394, %dma_wait3A_395] : memref<8x64x32768xf32, #tpu.memory_space<hbm>> -> memref<1x1x32768xf32, #tpu.memory_space<hbm>>
    %dma_wait3A_397 = tpu.memref_squeeze %dma_wait3A_396 : memref<1x1x32768xf32, #tpu.memory_space<hbm>> -> memref<32768xf32, #tpu.memory_space<hbm>>
    %dma_wait3A_398 = arith.constant 0 : i32
    %dma_wait3A_399 = tpu.memref_slice %arg2[%select_n3A, %add3A_394, %dma_wait3A_398] : memref<8x64x32768xf32, #tpu.memory_space<hbm>> -> memref<1x1x32768xf32, #tpu.memory_space<hbm>>
    %dma_wait3A_400 = tpu.memref_squeeze %dma_wait3A_399 : memref<1x1x32768xf32, #tpu.memory_space<hbm>> -> memref<32768xf32, #tpu.memory_space<hbm>>
    tpu.wait_dma2 semaphore(%arg13 : memref<!tpu.dma_semaphore, #tpu.memory_space<semaphore_mem>>) src(%dma_wait3A_400 : memref<32768xf32, #tpu.memory_space<hbm>>) dst(%arg8 : memref<32768xf32, #tpu.memory_space<vmem>>)
    %add3A_401 = arith.constant 10 : i32
    %add3A_402 = arith.addi %mul3A_32, %add3A_401 : i32
    %add3A_403 = arith.constant 1 : i32
    %add3A_404 = arith.addi %add3A_402, %add3A_403 : i32
    %dma_start3A_405 = arith.constant 0 : i32
    %dma_start3A_406 = tpu.memref_slice %arg2[%select_n3A, %add3A_404, %dma_start3A_405] : memref<8x64x32768xf32, #tpu.memory_space<hbm>> -> memref<1x1x32768xf32, #tpu.memory_space<hbm>>
    %dma_start3A_407 = tpu.memref_squeeze %dma_start3A_406 : memref<1x1x32768xf32, #tpu.memory_space<hbm>> -> memref<32768xf32, #tpu.memory_space<hbm>>
    %dma_start3A_408 = arith.constant 0 : i32
    %dma_start3A_409 = tpu.memref_slice %arg2[%select_n3A, %add3A_404, %dma_start3A_408] : memref<8x64x32768xf32, #tpu.memory_space<hbm>> -> memref<1x1x32768xf32, #tpu.memory_space<hbm>>
    %dma_start3A_410 = tpu.memref_squeeze %dma_start3A_409 : memref<1x1x32768xf32, #tpu.memory_space<hbm>> -> memref<32768xf32, #tpu.memory_space<hbm>>
    tpu.enqueue_dma source(%dma_start3A_410 : memref<32768xf32, #tpu.memory_space<hbm>>) target(%arg9 : memref<32768xf32, #tpu.memory_space<vmem>>) target_semaphore(%arg14 : memref<!tpu.dma_semaphore, #tpu.memory_space<semaphore_mem>>)
    %dma_wait3A_411 = arith.constant 0 : i32
    %dma_wait3A_412 = tpu.memref_slice %arg5[%select_n3A, %add3A_351, %dma_wait3A_411] : memref<8x64x8192xf32, #tpu.memory_space<hbm>> -> memref<1x1x8192xf32, #tpu.memory_space<hbm>>
    %dma_wait3A_413 = tpu.memref_squeeze %dma_wait3A_412 : memref<1x1x8192xf32, #tpu.memory_space<hbm>> -> memref<8192xf32, #tpu.memory_space<hbm>>
    %dma_wait3A_414 = arith.constant 0 : i32
    %dma_wait3A_415 = tpu.memref_slice %arg5[%select_n3A, %add3A_351, %dma_wait3A_414] : memref<8x64x8192xf32, #tpu.memory_space<hbm>> -> memref<1x1x8192xf32, #tpu.memory_space<hbm>>
    %dma_wait3A_416 = tpu.memref_squeeze %dma_wait3A_415 : memref<1x1x8192xf32, #tpu.memory_space<hbm>> -> memref<8192xf32, #tpu.memory_space<hbm>>
    tpu.wait_dma2 semaphore(%arg15 : memref<!tpu.dma_semaphore, #tpu.memory_space<semaphore_mem>>) src(%arg11 : memref<8192xf32, #tpu.memory_space<vmem>>) dst(%dma_wait3A_416 : memref<8192xf32, #tpu.memory_space<hbm>>)
    %parallel_loop3A_417 = arith.constant 0 : i32
    %parallel_loop3A_418 = arith.constant 512 : i32
    %parallel_loop3A_419 = arith.constant 1 : i32
    scf.for %parallel_loop3A_610 = %parallel_loop3A_417 to %parallel_loop3A_418 step %parallel_loop3A_419  : i32 {
      %parallel_loop3A_611 = arith.constant 16 : i32
      %parallel_loop3A_612 = arith.muli %parallel_loop3A_610, %parallel_loop3A_611 : i32
      %parallel_loop3A_613 = arith.index_cast %parallel_loop3A_612 : i32 to index
      %parallel_loop3A_614 = tpu.vector_load %arg7[%parallel_loop3A_613] {strides = array<i32>} : memref<8192xi32, #tpu.memory_space<vmem>>, vector<16xi32>,
      %parallel_loop3A_615 = tpu.vector_load_idx %arg8[%parallel_loop3A_614] : memref<32768xf32, #tpu.memory_space<vmem>>[vector<16xi32>], vector<16xf32>,
      %parallel_loop3A_616 = arith.index_cast %parallel_loop3A_612 : i32 to index
      %parallel_loop3A_617 = tpu.vector_load %arg11[%parallel_loop3A_616] {strides = array<i32>} : memref<8192xf32, #tpu.memory_space<vmem>>, vector<16xf32>,
      tpu.vector_store %arg11[%parallel_loop3A_616], %parallel_loop3A_615 {strides = array<i32>} : memref<8192xf32, #tpu.memory_space<vmem>>, vector<16xf32>,
    } {sc.loop_unroll_factor = 8 : i64, sc.parallel_access}
    %add3A_420 = arith.constant 10 : i32
    %add3A_421 = arith.addi %mul3A_32, %add3A_420 : i32
    %dma_start3A_422 = arith.constant 0 : i32
    %dma_start3A_423 = tpu.memref_slice %arg5[%select_n3A, %add3A_421, %dma_start3A_422] : memref<8x64x8192xf32, #tpu.memory_space<hbm>> -> memref<1x1x8192xf32, #tpu.memory_space<hbm>>
    %dma_start3A_424 = tpu.memref_squeeze %dma_start3A_423 : memref<1x1x8192xf32, #tpu.memory_space<hbm>> -> memref<8192xf32, #tpu.memory_space<hbm>>
    %dma_start3A_425 = arith.constant 0 : i32
    %dma_start3A_426 = tpu.memref_slice %arg5[%select_n3A, %add3A_421, %dma_start3A_425] : memref<8x64x8192xf32, #tpu.memory_space<hbm>> -> memref<1x1x8192xf32, #tpu.memory_space<hbm>>
    %dma_start3A_427 = tpu.memref_squeeze %dma_start3A_426 : memref<1x1x8192xf32, #tpu.memory_space<hbm>> -> memref<8192xf32, #tpu.memory_space<hbm>>
    tpu.enqueue_dma source(%arg11 : memref<8192xf32, #tpu.memory_space<vmem>>) target(%dma_start3A_427 : memref<8192xf32, #tpu.memory_space<hbm>>) target_semaphore(%arg15 : memref<!tpu.dma_semaphore, #tpu.memory_space<semaphore_mem>>)
    %add3A_428 = arith.constant 11 : i32
    %add3A_429 = arith.addi %mul3A_32, %add3A_428 : i32
    %dma_wait3A_430 = arith.constant 0 : i32
    %dma_wait3A_431 = tpu.memref_slice %arg2[%select_n3A, %add3A_429, %dma_wait3A_430] : memref<8x64x32768xf32, #tpu.memory_space<hbm>> -> memref<1x1x32768xf32, #tpu.memory_space<hbm>>
    %dma_wait3A_432 = tpu.memref_squeeze %dma_wait3A_431 : memref<1x1x32768xf32, #tpu.memory_space<hbm>> -> memref<32768xf32, #tpu.memory_space<hbm>>
    %dma_wait3A_433 = arith.constant 0 : i32
    %dma_wait3A_434 = tpu.memref_slice %arg2[%select_n3A, %add3A_429, %dma_wait3A_433] : memref<8x64x32768xf32, #tpu.memory_space<hbm>> -> memref<1x1x32768xf32, #tpu.memory_space<hbm>>
    %dma_wait3A_435 = tpu.memref_squeeze %dma_wait3A_434 : memref<1x1x32768xf32, #tpu.memory_space<hbm>> -> memref<32768xf32, #tpu.memory_space<hbm>>
    tpu.wait_dma2 semaphore(%arg14 : memref<!tpu.dma_semaphore, #tpu.memory_space<semaphore_mem>>) src(%dma_wait3A_435 : memref<32768xf32, #tpu.memory_space<hbm>>) dst(%arg9 : memref<32768xf32, #tpu.memory_space<vmem>>)
    %add3A_436 = arith.constant 11 : i32
    %add3A_437 = arith.addi %mul3A_32, %add3A_436 : i32
    %add3A_438 = arith.constant 1 : i32
    %add3A_439 = arith.addi %add3A_437, %add3A_438 : i32
    %dma_start3A_440 = arith.constant 0 : i32
    %dma_start3A_441 = tpu.memref_slice %arg2[%select_n3A, %add3A_439, %dma_start3A_440] : memref<8x64x32768xf32, #tpu.memory_space<hbm>> -> memref<1x1x32768xf32, #tpu.memory_space<hbm>>
    %dma_start3A_442 = tpu.memref_squeeze %dma_start3A_441 : memref<1x1x32768xf32, #tpu.memory_space<hbm>> -> memref<32768xf32, #tpu.memory_space<hbm>>
    %dma_start3A_443 = arith.constant 0 : i32
    %dma_start3A_444 = tpu.memref_slice %arg2[%select_n3A, %add3A_439, %dma_start3A_443] : memref<8x64x32768xf32, #tpu.memory_space<hbm>> -> memref<1x1x32768xf32, #tpu.memory_space<hbm>>
    %dma_start3A_445 = tpu.memref_squeeze %dma_start3A_444 : memref<1x1x32768xf32, #tpu.memory_space<hbm>> -> memref<32768xf32, #tpu.memory_space<hbm>>
    tpu.enqueue_dma source(%dma_start3A_445 : memref<32768xf32, #tpu.memory_space<hbm>>) target(%arg8 : memref<32768xf32, #tpu.memory_space<vmem>>) target_semaphore(%arg13 : memref<!tpu.dma_semaphore, #tpu.memory_space<semaphore_mem>>)
    %dma_wait3A_446 = arith.constant 0 : i32
    %dma_wait3A_447 = tpu.memref_slice %arg5[%select_n3A, %add3A_386, %dma_wait3A_446] : memref<8x64x8192xf32, #tpu.memory_space<hbm>> -> memref<1x1x8192xf32, #tpu.memory_space<hbm>>
    %dma_wait3A_448 = tpu.memref_squeeze %dma_wait3A_447 : memref<1x1x8192xf32, #tpu.memory_space<hbm>> -> memref<8192xf32, #tpu.memory_space<hbm>>
    %dma_wait3A_449 = arith.constant 0 : i32
    %dma_wait3A_450 = tpu.memref_slice %arg5[%select_n3A, %add3A_386, %dma_wait3A_449] : memref<8x64x8192xf32, #tpu.memory_space<hbm>> -> memref<1x1x8192xf32, #tpu.memory_space<hbm>>
    %dma_wait3A_451 = tpu.memref_squeeze %dma_wait3A_450 : memref<1x1x8192xf32, #tpu.memory_space<hbm>> -> memref<8192xf32, #tpu.memory_space<hbm>>
    tpu.wait_dma2 semaphore(%arg16 : memref<!tpu.dma_semaphore, #tpu.memory_space<semaphore_mem>>) src(%arg12 : memref<8192xf32, #tpu.memory_space<vmem>>) dst(%dma_wait3A_451 : memref<8192xf32, #tpu.memory_space<hbm>>)
    %parallel_loop3A_452 = arith.constant 0 : i32
    %parallel_loop3A_453 = arith.constant 512 : i32
    %parallel_loop3A_454 = arith.constant 1 : i32
    scf.for %parallel_loop3A_610 = %parallel_loop3A_452 to %parallel_loop3A_453 step %parallel_loop3A_454  : i32 {
      %parallel_loop3A_611 = arith.constant 16 : i32
      %parallel_loop3A_612 = arith.muli %parallel_loop3A_610, %parallel_loop3A_611 : i32
      %parallel_loop3A_613 = arith.index_cast %parallel_loop3A_612 : i32 to index
      %parallel_loop3A_614 = tpu.vector_load %arg7[%parallel_loop3A_613] {strides = array<i32>} : memref<8192xi32, #tpu.memory_space<vmem>>, vector<16xi32>,
      %parallel_loop3A_615 = tpu.vector_load_idx %arg9[%parallel_loop3A_614] : memref<32768xf32, #tpu.memory_space<vmem>>[vector<16xi32>], vector<16xf32>,
      %parallel_loop3A_616 = arith.index_cast %parallel_loop3A_612 : i32 to index
      %parallel_loop3A_617 = tpu.vector_load %arg12[%parallel_loop3A_616] {strides = array<i32>} : memref<8192xf32, #tpu.memory_space<vmem>>, vector<16xf32>,
      tpu.vector_store %arg12[%parallel_loop3A_616], %parallel_loop3A_615 {strides = array<i32>} : memref<8192xf32, #tpu.memory_space<vmem>>, vector<16xf32>,
    } {sc.loop_unroll_factor = 8 : i64, sc.parallel_access}
    %add3A_455 = arith.constant 11 : i32
    %add3A_456 = arith.addi %mul3A_32, %add3A_455 : i32
    %dma_start3A_457 = arith.constant 0 : i32
    %dma_start3A_458 = tpu.memref_slice %arg5[%select_n3A, %add3A_456, %dma_start3A_457] : memref<8x64x8192xf32, #tpu.memory_space<hbm>> -> memref<1x1x8192xf32, #tpu.memory_space<hbm>>
    %dma_start3A_459 = tpu.memref_squeeze %dma_start3A_458 : memref<1x1x8192xf32, #tpu.memory_space<hbm>> -> memref<8192xf32, #tpu.memory_space<hbm>>
    %dma_start3A_460 = arith.constant 0 : i32
    %dma_start3A_461 = tpu.memref_slice %arg5[%select_n3A, %add3A_456, %dma_start3A_460] : memref<8x64x8192xf32, #tpu.memory_space<hbm>> -> memref<1x1x8192xf32, #tpu.memory_space<hbm>>
    %dma_start3A_462 = tpu.memref_squeeze %dma_start3A_461 : memref<1x1x8192xf32, #tpu.memory_space<hbm>> -> memref<8192xf32, #tpu.memory_space<hbm>>
    tpu.enqueue_dma source(%arg12 : memref<8192xf32, #tpu.memory_space<vmem>>) target(%dma_start3A_462 : memref<8192xf32, #tpu.memory_space<hbm>>) target_semaphore(%arg16 : memref<!tpu.dma_semaphore, #tpu.memory_space<semaphore_mem>>)
    %add3A_463 = arith.constant 12 : i32
    %add3A_464 = arith.addi %mul3A_32, %add3A_463 : i32
    %dma_wait3A_465 = arith.constant 0 : i32
    %dma_wait3A_466 = tpu.memref_slice %arg2[%select_n3A, %add3A_464, %dma_wait3A_465] : memref<8x64x32768xf32, #tpu.memory_space<hbm>> -> memref<1x1x32768xf32, #tpu.memory_space<hbm>>
    %dma_wait3A_467 = tpu.memref_squeeze %dma_wait3A_466 : memref<1x1x32768xf32, #tpu.memory_space<hbm>> -> memref<32768xf32, #tpu.memory_space<hbm>>
    %dma_wait3A_468 = arith.constant 0 : i32
    %dma_wait3A_469 = tpu.memref_slice %arg2[%select_n3A, %add3A_464, %dma_wait3A_468] : memref<8x64x32768xf32, #tpu.memory_space<hbm>> -> memref<1x1x32768xf32, #tpu.memory_space<hbm>>
    %dma_wait3A_470 = tpu.memref_squeeze %dma_wait3A_469 : memref<1x1x32768xf32, #tpu.memory_space<hbm>> -> memref<32768xf32, #tpu.memory_space<hbm>>
    tpu.wait_dma2 semaphore(%arg13 : memref<!tpu.dma_semaphore, #tpu.memory_space<semaphore_mem>>) src(%dma_wait3A_470 : memref<32768xf32, #tpu.memory_space<hbm>>) dst(%arg8 : memref<32768xf32, #tpu.memory_space<vmem>>)
    %add3A_471 = arith.constant 12 : i32
    %add3A_472 = arith.addi %mul3A_32, %add3A_471 : i32
    %add3A_473 = arith.constant 1 : i32
    %add3A_474 = arith.addi %add3A_472, %add3A_473 : i32
    %dma_start3A_475 = arith.constant 0 : i32
    %dma_start3A_476 = tpu.memref_slice %arg2[%select_n3A, %add3A_474, %dma_start3A_475] : memref<8x64x32768xf32, #tpu.memory_space<hbm>> -> memref<1x1x32768xf32, #tpu.memory_space<hbm>>
    %dma_start3A_477 = tpu.memref_squeeze %dma_start3A_476 : memref<1x1x32768xf32, #tpu.memory_space<hbm>> -> memref<32768xf32, #tpu.memory_space<hbm>>
    %dma_start3A_478 = arith.constant 0 : i32
    %dma_start3A_479 = tpu.memref_slice %arg2[%select_n3A, %add3A_474, %dma_start3A_478] : memref<8x64x32768xf32, #tpu.memory_space<hbm>> -> memref<1x1x32768xf32, #tpu.memory_space<hbm>>
    %dma_start3A_480 = tpu.memref_squeeze %dma_start3A_479 : memref<1x1x32768xf32, #tpu.memory_space<hbm>> -> memref<32768xf32, #tpu.memory_space<hbm>>
    tpu.enqueue_dma source(%dma_start3A_480 : memref<32768xf32, #tpu.memory_space<hbm>>) target(%arg9 : memref<32768xf32, #tpu.memory_space<vmem>>) target_semaphore(%arg14 : memref<!tpu.dma_semaphore, #tpu.memory_space<semaphore_mem>>)
    %dma_wait3A_481 = arith.constant 0 : i32
    %dma_wait3A_482 = tpu.memref_slice %arg5[%select_n3A, %add3A_421, %dma_wait3A_481] : memref<8x64x8192xf32, #tpu.memory_space<hbm>> -> memref<1x1x8192xf32, #tpu.memory_space<hbm>>
    %dma_wait3A_483 = tpu.memref_squeeze %dma_wait3A_482 : memref<1x1x8192xf32, #tpu.memory_space<hbm>> -> memref<8192xf32, #tpu.memory_space<hbm>>
    %dma_wait3A_484 = arith.constant 0 : i32
    %dma_wait3A_485 = tpu.memref_slice %arg5[%select_n3A, %add3A_421, %dma_wait3A_484] : memref<8x64x8192xf32, #tpu.memory_space<hbm>> -> memref<1x1x8192xf32, #tpu.memory_space<hbm>>
    %dma_wait3A_486 = tpu.memref_squeeze %dma_wait3A_485 : memref<1x1x8192xf32, #tpu.memory_space<hbm>> -> memref<8192xf32, #tpu.memory_space<hbm>>
    tpu.wait_dma2 semaphore(%arg15 : memref<!tpu.dma_semaphore, #tpu.memory_space<semaphore_mem>>) src(%arg11 : memref<8192xf32, #tpu.memory_space<vmem>>) dst(%dma_wait3A_486 : memref<8192xf32, #tpu.memory_space<hbm>>)
    %parallel_loop3A_487 = arith.constant 0 : i32
    %parallel_loop3A_488 = arith.constant 512 : i32
    %parallel_loop3A_489 = arith.constant 1 : i32
    scf.for %parallel_loop3A_610 = %parallel_loop3A_487 to %parallel_loop3A_488 step %parallel_loop3A_489  : i32 {
      %parallel_loop3A_611 = arith.constant 16 : i32
      %parallel_loop3A_612 = arith.muli %parallel_loop3A_610, %parallel_loop3A_611 : i32
      %parallel_loop3A_613 = arith.index_cast %parallel_loop3A_612 : i32 to index
      %parallel_loop3A_614 = tpu.vector_load %arg7[%parallel_loop3A_613] {strides = array<i32>} : memref<8192xi32, #tpu.memory_space<vmem>>, vector<16xi32>,
      %parallel_loop3A_615 = tpu.vector_load_idx %arg8[%parallel_loop3A_614] : memref<32768xf32, #tpu.memory_space<vmem>>[vector<16xi32>], vector<16xf32>,
      %parallel_loop3A_616 = arith.index_cast %parallel_loop3A_612 : i32 to index
      %parallel_loop3A_617 = tpu.vector_load %arg11[%parallel_loop3A_616] {strides = array<i32>} : memref<8192xf32, #tpu.memory_space<vmem>>, vector<16xf32>,
      tpu.vector_store %arg11[%parallel_loop3A_616], %parallel_loop3A_615 {strides = array<i32>} : memref<8192xf32, #tpu.memory_space<vmem>>, vector<16xf32>,
    } {sc.loop_unroll_factor = 8 : i64, sc.parallel_access}
    %add3A_490 = arith.constant 12 : i32
    %add3A_491 = arith.addi %mul3A_32, %add3A_490 : i32
    %dma_start3A_492 = arith.constant 0 : i32
    %dma_start3A_493 = tpu.memref_slice %arg5[%select_n3A, %add3A_491, %dma_start3A_492] : memref<8x64x8192xf32, #tpu.memory_space<hbm>> -> memref<1x1x8192xf32, #tpu.memory_space<hbm>>
    %dma_start3A_494 = tpu.memref_squeeze %dma_start3A_493 : memref<1x1x8192xf32, #tpu.memory_space<hbm>> -> memref<8192xf32, #tpu.memory_space<hbm>>
    %dma_start3A_495 = arith.constant 0 : i32
    %dma_start3A_496 = tpu.memref_slice %arg5[%select_n3A, %add3A_491, %dma_start3A_495] : memref<8x64x8192xf32, #tpu.memory_space<hbm>> -> memref<1x1x8192xf32, #tpu.memory_space<hbm>>
    %dma_start3A_497 = tpu.memref_squeeze %dma_start3A_496 : memref<1x1x8192xf32, #tpu.memory_space<hbm>> -> memref<8192xf32, #tpu.memory_space<hbm>>
    tpu.enqueue_dma source(%arg11 : memref<8192xf32, #tpu.memory_space<vmem>>) target(%dma_start3A_497 : memref<8192xf32, #tpu.memory_space<hbm>>) target_semaphore(%arg15 : memref<!tpu.dma_semaphore, #tpu.memory_space<semaphore_mem>>)
    %add3A_498 = arith.constant 13 : i32
    %add3A_499 = arith.addi %mul3A_32, %add3A_498 : i32
    %dma_wait3A_500 = arith.constant 0 : i32
    %dma_wait3A_501 = tpu.memref_slice %arg2[%select_n3A, %add3A_499, %dma_wait3A_500] : memref<8x64x32768xf32, #tpu.memory_space<hbm>> -> memref<1x1x32768xf32, #tpu.memory_space<hbm>>
    %dma_wait3A_502 = tpu.memref_squeeze %dma_wait3A_501 : memref<1x1x32768xf32, #tpu.memory_space<hbm>> -> memref<32768xf32, #tpu.memory_space<hbm>>
    %dma_wait3A_503 = arith.constant 0 : i32
    %dma_wait3A_504 = tpu.memref_slice %arg2[%select_n3A, %add3A_499, %dma_wait3A_503] : memref<8x64x32768xf32, #tpu.memory_space<hbm>> -> memref<1x1x32768xf32, #tpu.memory_space<hbm>>
    %dma_wait3A_505 = tpu.memref_squeeze %dma_wait3A_504 : memref<1x1x32768xf32, #tpu.memory_space<hbm>> -> memref<32768xf32, #tpu.memory_space<hbm>>
    tpu.wait_dma2 semaphore(%arg14 : memref<!tpu.dma_semaphore, #tpu.memory_space<semaphore_mem>>) src(%dma_wait3A_505 : memref<32768xf32, #tpu.memory_space<hbm>>) dst(%arg9 : memref<32768xf32, #tpu.memory_space<vmem>>)
    %add3A_506 = arith.constant 13 : i32
    %add3A_507 = arith.addi %mul3A_32, %add3A_506 : i32
    %add3A_508 = arith.constant 1 : i32
    %add3A_509 = arith.addi %add3A_507, %add3A_508 : i32
    %dma_start3A_510 = arith.constant 0 : i32
    %dma_start3A_511 = tpu.memref_slice %arg2[%select_n3A, %add3A_509, %dma_start3A_510] : memref<8x64x32768xf32, #tpu.memory_space<hbm>> -> memref<1x1x32768xf32, #tpu.memory_space<hbm>>
    %dma_start3A_512 = tpu.memref_squeeze %dma_start3A_511 : memref<1x1x32768xf32, #tpu.memory_space<hbm>> -> memref<32768xf32, #tpu.memory_space<hbm>>
    %dma_start3A_513 = arith.constant 0 : i32
    %dma_start3A_514 = tpu.memref_slice %arg2[%select_n3A, %add3A_509, %dma_start3A_513] : memref<8x64x32768xf32, #tpu.memory_space<hbm>> -> memref<1x1x32768xf32, #tpu.memory_space<hbm>>
    %dma_start3A_515 = tpu.memref_squeeze %dma_start3A_514 : memref<1x1x32768xf32, #tpu.memory_space<hbm>> -> memref<32768xf32, #tpu.memory_space<hbm>>
    tpu.enqueue_dma source(%dma_start3A_515 : memref<32768xf32, #tpu.memory_space<hbm>>) target(%arg8 : memref<32768xf32, #tpu.memory_space<vmem>>) target_semaphore(%arg13 : memref<!tpu.dma_semaphore, #tpu.memory_space<semaphore_mem>>)
    %dma_wait3A_516 = arith.constant 0 : i32
    %dma_wait3A_517 = tpu.memref_slice %arg5[%select_n3A, %add3A_456, %dma_wait3A_516] : memref<8x64x8192xf32, #tpu.memory_space<hbm>> -> memref<1x1x8192xf32, #tpu.memory_space<hbm>>
    %dma_wait3A_518 = tpu.memref_squeeze %dma_wait3A_517 : memref<1x1x8192xf32, #tpu.memory_space<hbm>> -> memref<8192xf32, #tpu.memory_space<hbm>>
    %dma_wait3A_519 = arith.constant 0 : i32
    %dma_wait3A_520 = tpu.memref_slice %arg5[%select_n3A, %add3A_456, %dma_wait3A_519] : memref<8x64x8192xf32, #tpu.memory_space<hbm>> -> memref<1x1x8192xf32, #tpu.memory_space<hbm>>
    %dma_wait3A_521 = tpu.memref_squeeze %dma_wait3A_520 : memref<1x1x8192xf32, #tpu.memory_space<hbm>> -> memref<8192xf32, #tpu.memory_space<hbm>>
    tpu.wait_dma2 semaphore(%arg16 : memref<!tpu.dma_semaphore, #tpu.memory_space<semaphore_mem>>) src(%arg12 : memref<8192xf32, #tpu.memory_space<vmem>>) dst(%dma_wait3A_521 : memref<8192xf32, #tpu.memory_space<hbm>>)
    %parallel_loop3A_522 = arith.constant 0 : i32
    %parallel_loop3A_523 = arith.constant 512 : i32
    %parallel_loop3A_524 = arith.constant 1 : i32
    scf.for %parallel_loop3A_610 = %parallel_loop3A_522 to %parallel_loop3A_523 step %parallel_loop3A_524  : i32 {
      %parallel_loop3A_611 = arith.constant 16 : i32
      %parallel_loop3A_612 = arith.muli %parallel_loop3A_610, %parallel_loop3A_611 : i32
      %parallel_loop3A_613 = arith.index_cast %parallel_loop3A_612 : i32 to index
      %parallel_loop3A_614 = tpu.vector_load %arg7[%parallel_loop3A_613] {strides = array<i32>} : memref<8192xi32, #tpu.memory_space<vmem>>, vector<16xi32>,
      %parallel_loop3A_615 = tpu.vector_load_idx %arg9[%parallel_loop3A_614] : memref<32768xf32, #tpu.memory_space<vmem>>[vector<16xi32>], vector<16xf32>,
      %parallel_loop3A_616 = arith.index_cast %parallel_loop3A_612 : i32 to index
      %parallel_loop3A_617 = tpu.vector_load %arg12[%parallel_loop3A_616] {strides = array<i32>} : memref<8192xf32, #tpu.memory_space<vmem>>, vector<16xf32>,
      tpu.vector_store %arg12[%parallel_loop3A_616], %parallel_loop3A_615 {strides = array<i32>} : memref<8192xf32, #tpu.memory_space<vmem>>, vector<16xf32>,
    } {sc.loop_unroll_factor = 8 : i64, sc.parallel_access}
    %add3A_525 = arith.constant 13 : i32
    %add3A_526 = arith.addi %mul3A_32, %add3A_525 : i32
    %dma_start3A_527 = arith.constant 0 : i32
    %dma_start3A_528 = tpu.memref_slice %arg5[%select_n3A, %add3A_526, %dma_start3A_527] : memref<8x64x8192xf32, #tpu.memory_space<hbm>> -> memref<1x1x8192xf32, #tpu.memory_space<hbm>>
    %dma_start3A_529 = tpu.memref_squeeze %dma_start3A_528 : memref<1x1x8192xf32, #tpu.memory_space<hbm>> -> memref<8192xf32, #tpu.memory_space<hbm>>
    %dma_start3A_530 = arith.constant 0 : i32
    %dma_start3A_531 = tpu.memref_slice %arg5[%select_n3A, %add3A_526, %dma_start3A_530] : memref<8x64x8192xf32, #tpu.memory_space<hbm>> -> memref<1x1x8192xf32, #tpu.memory_space<hbm>>
    %dma_start3A_532 = tpu.memref_squeeze %dma_start3A_531 : memref<1x1x8192xf32, #tpu.memory_space<hbm>> -> memref<8192xf32, #tpu.memory_space<hbm>>
    tpu.enqueue_dma source(%arg12 : memref<8192xf32, #tpu.memory_space<vmem>>) target(%dma_start3A_532 : memref<8192xf32, #tpu.memory_space<hbm>>) target_semaphore(%arg16 : memref<!tpu.dma_semaphore, #tpu.memory_space<semaphore_mem>>)
    %add3A_533 = arith.constant 14 : i32
    %add3A_534 = arith.addi %mul3A_32, %add3A_533 : i32
    %dma_wait3A_535 = arith.constant 0 : i32
    %dma_wait3A_536 = tpu.memref_slice %arg2[%select_n3A, %add3A_534, %dma_wait3A_535] : memref<8x64x32768xf32, #tpu.memory_space<hbm>> -> memref<1x1x32768xf32, #tpu.memory_space<hbm>>
    %dma_wait3A_537 = tpu.memref_squeeze %dma_wait3A_536 : memref<1x1x32768xf32, #tpu.memory_space<hbm>> -> memref<32768xf32, #tpu.memory_space<hbm>>
    %dma_wait3A_538 = arith.constant 0 : i32
    %dma_wait3A_539 = tpu.memref_slice %arg2[%select_n3A, %add3A_534, %dma_wait3A_538] : memref<8x64x32768xf32, #tpu.memory_space<hbm>> -> memref<1x1x32768xf32, #tpu.memory_space<hbm>>
    %dma_wait3A_540 = tpu.memref_squeeze %dma_wait3A_539 : memref<1x1x32768xf32, #tpu.memory_space<hbm>> -> memref<32768xf32, #tpu.memory_space<hbm>>
    tpu.wait_dma2 semaphore(%arg13 : memref<!tpu.dma_semaphore, #tpu.memory_space<semaphore_mem>>) src(%dma_wait3A_540 : memref<32768xf32, #tpu.memory_space<hbm>>) dst(%arg8 : memref<32768xf32, #tpu.memory_space<vmem>>)
    %add3A_541 = arith.constant 14 : i32
    %add3A_542 = arith.addi %mul3A_32, %add3A_541 : i32
    %add3A_543 = arith.constant 1 : i32
    %add3A_544 = arith.addi %add3A_542, %add3A_543 : i32
    %dma_start3A_545 = arith.constant 0 : i32
    %dma_start3A_546 = tpu.memref_slice %arg2[%select_n3A, %add3A_544, %dma_start3A_545] : memref<8x64x32768xf32, #tpu.memory_space<hbm>> -> memref<1x1x32768xf32, #tpu.memory_space<hbm>>
    %dma_start3A_547 = tpu.memref_squeeze %dma_start3A_546 : memref<1x1x32768xf32, #tpu.memory_space<hbm>> -> memref<32768xf32, #tpu.memory_space<hbm>>
    %dma_start3A_548 = arith.constant 0 : i32
    %dma_start3A_549 = tpu.memref_slice %arg2[%select_n3A, %add3A_544, %dma_start3A_548] : memref<8x64x32768xf32, #tpu.memory_space<hbm>> -> memref<1x1x32768xf32, #tpu.memory_space<hbm>>
    %dma_start3A_550 = tpu.memref_squeeze %dma_start3A_549 : memref<1x1x32768xf32, #tpu.memory_space<hbm>> -> memref<32768xf32, #tpu.memory_space<hbm>>
    tpu.enqueue_dma source(%dma_start3A_550 : memref<32768xf32, #tpu.memory_space<hbm>>) target(%arg9 : memref<32768xf32, #tpu.memory_space<vmem>>) target_semaphore(%arg14 : memref<!tpu.dma_semaphore, #tpu.memory_space<semaphore_mem>>)
    %dma_wait3A_551 = arith.constant 0 : i32
    %dma_wait3A_552 = tpu.memref_slice %arg5[%select_n3A, %add3A_491, %dma_wait3A_551] : memref<8x64x8192xf32, #tpu.memory_space<hbm>> -> memref<1x1x8192xf32, #tpu.memory_space<hbm>>
    %dma_wait3A_553 = tpu.memref_squeeze %dma_wait3A_552 : memref<1x1x8192xf32, #tpu.memory_space<hbm>> -> memref<8192xf32, #tpu.memory_space<hbm>>
    %dma_wait3A_554 = arith.constant 0 : i32
    %dma_wait3A_555 = tpu.memref_slice %arg5[%select_n3A, %add3A_491, %dma_wait3A_554] : memref<8x64x8192xf32, #tpu.memory_space<hbm>> -> memref<1x1x8192xf32, #tpu.memory_space<hbm>>
    %dma_wait3A_556 = tpu.memref_squeeze %dma_wait3A_555 : memref<1x1x8192xf32, #tpu.memory_space<hbm>> -> memref<8192xf32, #tpu.memory_space<hbm>>
    tpu.wait_dma2 semaphore(%arg15 : memref<!tpu.dma_semaphore, #tpu.memory_space<semaphore_mem>>) src(%arg11 : memref<8192xf32, #tpu.memory_space<vmem>>) dst(%dma_wait3A_556 : memref<8192xf32, #tpu.memory_space<hbm>>)
    %parallel_loop3A_557 = arith.constant 0 : i32
    %parallel_loop3A_558 = arith.constant 512 : i32
    %parallel_loop3A_559 = arith.constant 1 : i32
    scf.for %parallel_loop3A_610 = %parallel_loop3A_557 to %parallel_loop3A_558 step %parallel_loop3A_559  : i32 {
      %parallel_loop3A_611 = arith.constant 16 : i32
      %parallel_loop3A_612 = arith.muli %parallel_loop3A_610, %parallel_loop3A_611 : i32
      %parallel_loop3A_613 = arith.index_cast %parallel_loop3A_612 : i32 to index
      %parallel_loop3A_614 = tpu.vector_load %arg7[%parallel_loop3A_613] {strides = array<i32>} : memref<8192xi32, #tpu.memory_space<vmem>>, vector<16xi32>,
      %parallel_loop3A_615 = tpu.vector_load_idx %arg8[%parallel_loop3A_614] : memref<32768xf32, #tpu.memory_space<vmem>>[vector<16xi32>], vector<16xf32>,
      %parallel_loop3A_616 = arith.index_cast %parallel_loop3A_612 : i32 to index
      %parallel_loop3A_617 = tpu.vector_load %arg11[%parallel_loop3A_616] {strides = array<i32>} : memref<8192xf32, #tpu.memory_space<vmem>>, vector<16xf32>,
      tpu.vector_store %arg11[%parallel_loop3A_616], %parallel_loop3A_615 {strides = array<i32>} : memref<8192xf32, #tpu.memory_space<vmem>>, vector<16xf32>,
    } {sc.loop_unroll_factor = 8 : i64, sc.parallel_access}
    %add3A_560 = arith.constant 14 : i32
    %add3A_561 = arith.addi %mul3A_32, %add3A_560 : i32
    %dma_start3A_562 = arith.constant 0 : i32
    %dma_start3A_563 = tpu.memref_slice %arg5[%select_n3A, %add3A_561, %dma_start3A_562] : memref<8x64x8192xf32, #tpu.memory_space<hbm>> -> memref<1x1x8192xf32, #tpu.memory_space<hbm>>
    %dma_start3A_564 = tpu.memref_squeeze %dma_start3A_563 : memref<1x1x8192xf32, #tpu.memory_space<hbm>> -> memref<8192xf32, #tpu.memory_space<hbm>>
    %dma_start3A_565 = arith.constant 0 : i32
    %dma_start3A_566 = tpu.memref_slice %arg5[%select_n3A, %add3A_561, %dma_start3A_565] : memref<8x64x8192xf32, #tpu.memory_space<hbm>> -> memref<1x1x8192xf32, #tpu.memory_space<hbm>>
    %dma_start3A_567 = tpu.memref_squeeze %dma_start3A_566 : memref<1x1x8192xf32, #tpu.memory_space<hbm>> -> memref<8192xf32, #tpu.memory_space<hbm>>
    tpu.enqueue_dma source(%arg11 : memref<8192xf32, #tpu.memory_space<vmem>>) target(%dma_start3A_567 : memref<8192xf32, #tpu.memory_space<hbm>>) target_semaphore(%arg15 : memref<!tpu.dma_semaphore, #tpu.memory_space<semaphore_mem>>)
    %add3A_568 = arith.constant 15 : i32
    %add3A_569 = arith.addi %mul3A_32, %add3A_568 : i32
    %dma_wait3A_570 = arith.constant 0 : i32
    %dma_wait3A_571 = tpu.memref_slice %arg2[%select_n3A, %add3A_569, %dma_wait3A_570] : memref<8x64x32768xf32, #tpu.memory_space<hbm>> -> memref<1x1x32768xf32, #tpu.memory_space<hbm>>
    %dma_wait3A_572 = tpu.memref_squeeze %dma_wait3A_571 : memref<1x1x32768xf32, #tpu.memory_space<hbm>> -> memref<32768xf32, #tpu.memory_space<hbm>>
    %dma_wait3A_573 = arith.constant 0 : i32
    %dma_wait3A_574 = tpu.memref_slice %arg2[%select_n3A, %add3A_569, %dma_wait3A_573] : memref<8x64x32768xf32, #tpu.memory_space<hbm>> -> memref<1x1x32768xf32, #tpu.memory_space<hbm>>
    %dma_wait3A_575 = tpu.memref_squeeze %dma_wait3A_574 : memref<1x1x32768xf32, #tpu.memory_space<hbm>> -> memref<32768xf32, #tpu.memory_space<hbm>>
    tpu.wait_dma2 semaphore(%arg14 : memref<!tpu.dma_semaphore, #tpu.memory_space<semaphore_mem>>) src(%dma_wait3A_575 : memref<32768xf32, #tpu.memory_space<hbm>>) dst(%arg9 : memref<32768xf32, #tpu.memory_space<vmem>>)
    %dma_wait3A_576 = arith.constant 0 : i32
    %dma_wait3A_577 = tpu.memref_slice %arg5[%select_n3A, %add3A_526, %dma_wait3A_576] : memref<8x64x8192xf32, #tpu.memory_space<hbm>> -> memref<1x1x8192xf32, #tpu.memory_space<hbm>>
    %dma_wait3A_578 = tpu.memref_squeeze %dma_wait3A_577 : memref<1x1x8192xf32, #tpu.memory_space<hbm>> -> memref<8192xf32, #tpu.memory_space<hbm>>
    %dma_wait3A_579 = arith.constant 0 : i32
    %dma_wait3A_580 = tpu.memref_slice %arg5[%select_n3A, %add3A_526, %dma_wait3A_579] : memref<8x64x8192xf32, #tpu.memory_space<hbm>> -> memref<1x1x8192xf32, #tpu.memory_space<hbm>>
    %dma_wait3A_581 = tpu.memref_squeeze %dma_wait3A_580 : memref<1x1x8192xf32, #tpu.memory_space<hbm>> -> memref<8192xf32, #tpu.memory_space<hbm>>
    tpu.wait_dma2 semaphore(%arg16 : memref<!tpu.dma_semaphore, #tpu.memory_space<semaphore_mem>>) src(%arg12 : memref<8192xf32, #tpu.memory_space<vmem>>) dst(%dma_wait3A_581 : memref<8192xf32, #tpu.memory_space<hbm>>)
    %parallel_loop3A_582 = arith.constant 0 : i32
    %parallel_loop3A_583 = arith.constant 512 : i32
    %parallel_loop3A_584 = arith.constant 1 : i32
    scf.for %parallel_loop3A_610 = %parallel_loop3A_582 to %parallel_loop3A_583 step %parallel_loop3A_584  : i32 {
      %parallel_loop3A_611 = arith.constant 16 : i32
      %parallel_loop3A_612 = arith.muli %parallel_loop3A_610, %parallel_loop3A_611 : i32
      %parallel_loop3A_613 = arith.index_cast %parallel_loop3A_612 : i32 to index
      %parallel_loop3A_614 = tpu.vector_load %arg7[%parallel_loop3A_613] {strides = array<i32>} : memref<8192xi32, #tpu.memory_space<vmem>>, vector<16xi32>,
      %parallel_loop3A_615 = tpu.vector_load_idx %arg9[%parallel_loop3A_614] : memref<32768xf32, #tpu.memory_space<vmem>>[vector<16xi32>], vector<16xf32>,
      %parallel_loop3A_616 = arith.index_cast %parallel_loop3A_612 : i32 to index
      %parallel_loop3A_617 = tpu.vector_load %arg12[%parallel_loop3A_616] {strides = array<i32>} : memref<8192xf32, #tpu.memory_space<vmem>>, vector<16xf32>,
      tpu.vector_store %arg12[%parallel_loop3A_616], %parallel_loop3A_615 {strides = array<i32>} : memref<8192xf32, #tpu.memory_space<vmem>>, vector<16xf32>,
    } {sc.loop_unroll_factor = 8 : i64, sc.parallel_access}
    %add3A_585 = arith.constant 15 : i32
    %add3A_586 = arith.addi %mul3A_32, %add3A_585 : i32
    %dma_start3A_587 = arith.constant 0 : i32
    %dma_start3A_588 = tpu.memref_slice %arg5[%select_n3A, %add3A_586, %dma_start3A_587] : memref<8x64x8192xf32, #tpu.memory_space<hbm>> -> memref<1x1x8192xf32, #tpu.memory_space<hbm>>
    %dma_start3A_589 = tpu.memref_squeeze %dma_start3A_588 : memref<1x1x8192xf32, #tpu.memory_space<hbm>> -> memref<8192xf32, #tpu.memory_space<hbm>>
    %dma_start3A_590 = arith.constant 0 : i32
    %dma_start3A_591 = tpu.memref_slice %arg5[%select_n3A, %add3A_586, %dma_start3A_590] : memref<8x64x8192xf32, #tpu.memory_space<hbm>> -> memref<1x1x8192xf32, #tpu.memory_space<hbm>>
    %dma_start3A_592 = tpu.memref_squeeze %dma_start3A_591 : memref<1x1x8192xf32, #tpu.memory_space<hbm>> -> memref<8192xf32, #tpu.memory_space<hbm>>
    tpu.enqueue_dma source(%arg12 : memref<8192xf32, #tpu.memory_space<vmem>>) target(%dma_start3A_592 : memref<8192xf32, #tpu.memory_space<hbm>>) target_semaphore(%arg16 : memref<!tpu.dma_semaphore, #tpu.memory_space<semaphore_mem>>)
    %dma_wait3A_593 = arith.constant 0 : i32
    %dma_wait3A_594 = tpu.memref_slice %arg5[%select_n3A, %add3A_561, %dma_wait3A_593] : memref<8x64x8192xf32, #tpu.memory_space<hbm>> -> memref<1x1x8192xf32, #tpu.memory_space<hbm>>
    %dma_wait3A_595 = tpu.memref_squeeze %dma_wait3A_594 : memref<1x1x8192xf32, #tpu.memory_space<hbm>> -> memref<8192xf32, #tpu.memory_space<hbm>>
    %dma_wait3A_596 = arith.constant 0 : i32
    %dma_wait3A_597 = tpu.memref_slice %arg5[%select_n3A, %add3A_561, %dma_wait3A_596] : memref<8x64x8192xf32, #tpu.memory_space<hbm>> -> memref<1x1x8192xf32, #tpu.memory_space<hbm>>
    %dma_wait3A_598 = tpu.memref_squeeze %dma_wait3A_597 : memref<1x1x8192xf32, #tpu.memory_space<hbm>> -> memref<8192xf32, #tpu.memory_space<hbm>>
    tpu.wait_dma2 semaphore(%arg15 : memref<!tpu.dma_semaphore, #tpu.memory_space<semaphore_mem>>) src(%arg11 : memref<8192xf32, #tpu.memory_space<vmem>>) dst(%dma_wait3A_598 : memref<8192xf32, #tpu.memory_space<hbm>>)
    %dma_wait3A_599 = arith.constant 0 : i32
    %dma_wait3A_600 = tpu.memref_slice %arg5[%select_n3A, %add3A_586, %dma_wait3A_599] : memref<8x64x8192xf32, #tpu.memory_space<hbm>> -> memref<1x1x8192xf32, #tpu.memory_space<hbm>>
    %dma_wait3A_601 = tpu.memref_squeeze %dma_wait3A_600 : memref<1x1x8192xf32, #tpu.memory_space<hbm>> -> memref<8192xf32, #tpu.memory_space<hbm>>
    %dma_wait3A_602 = arith.constant 0 : i32
    %dma_wait3A_603 = tpu.memref_slice %arg5[%select_n3A, %add3A_586, %dma_wait3A_602] : memref<8x64x8192xf32, #tpu.memory_space<hbm>> -> memref<1x1x8192xf32, #tpu.memory_space<hbm>>
    %dma_wait3A_604 = tpu.memref_squeeze %dma_wait3A_603 : memref<1x1x8192xf32, #tpu.memory_space<hbm>> -> memref<8192xf32, #tpu.memory_space<hbm>>
    tpu.wait_dma2 semaphore(%arg16 : memref<!tpu.dma_semaphore, #tpu.memory_space<semaphore_mem>>) src(%arg12 : memref<8192xf32, #tpu.memory_space<vmem>>) dst(%dma_wait3A_604 : memref<8192xf32, #tpu.memory_space<hbm>>)
    %lt3A_605 = arith.constant 3 : i32
    %lt3A_606 = arith.cmpi slt, %select_n3A_48, %lt3A_605 : i32
    %convert_element_type3A_607 = arith.extui %lt3A_606 : i1 to i32
    %cond3A_608 = arith.constant 0 : i32
    %cond3A_609 = arith.cmpi ne, %convert_element_type3A_607, %cond3A_608 : i32
    scf.if %cond3A_609 {
      %dma_wait3A_610 = arith.constant 0 : i32
      %dma_wait3A_611 = tpu.memref_slice %arg3[%select_n3A_48, %select_n3A, %dma_wait3A_610] : memref<3x8x32768xf32, #tpu.memory_space<hbm>> -> memref<1x1x32768xf32, #tpu.memory_space<hbm>>
      %dma_wait3A_612 = tpu.memref_squeeze %dma_wait3A_611 : memref<1x1x32768xf32, #tpu.memory_space<hbm>> -> memref<32768xf32, #tpu.memory_space<hbm>>
      %dma_wait3A_613 = arith.constant 0 : i32
      %dma_wait3A_614 = tpu.memref_slice %arg3[%select_n3A_48, %select_n3A, %dma_wait3A_613] : memref<3x8x32768xf32, #tpu.memory_space<hbm>> -> memref<1x1x32768xf32, #tpu.memory_space<hbm>>
      %dma_wait3A_615 = tpu.memref_squeeze %dma_wait3A_614 : memref<1x1x32768xf32, #tpu.memory_space<hbm>> -> memref<32768xf32, #tpu.memory_space<hbm>>
      tpu.wait_dma2 semaphore(%arg17 : memref<!tpu.dma_semaphore, #tpu.memory_space<semaphore_mem>>) src(%dma_wait3A_615 : memref<32768xf32, #tpu.memory_space<hbm>>) dst(%arg10 : memref<32768xf32, #tpu.memory_space<vmem>>)
      %parallel_loop3A_616 = arith.constant 0 : i32
      %parallel_loop3A_617 = arith.constant 512 : i32
      %parallel_loop3A_618 = arith.constant 1 : i32
      scf.for %parallel_loop3A_619 = %parallel_loop3A_616 to %parallel_loop3A_617 step %parallel_loop3A_618  : i32 {
        %parallel_loop3A_620 = arith.constant 16 : i32
        %parallel_loop3A_621 = arith.muli %parallel_loop3A_619, %parallel_loop3A_620 : i32
        %parallel_loop3A_622 = arith.index_cast %parallel_loop3A_621 : i32 to index
        %parallel_loop3A_623 = tpu.vector_load %arg7[%parallel_loop3A_622] {strides = array<i32>} : memref<8192xi32, #tpu.memory_space<vmem>>, vector<16xi32>,
        %parallel_loop3A_624 = tpu.vector_load_idx %arg10[%parallel_loop3A_623] : memref<32768xf32, #tpu.memory_space<vmem>>[vector<16xi32>], vector<16xf32>,
        %parallel_loop3A_625 = arith.index_cast %parallel_loop3A_621 : i32 to index
        %parallel_loop3A_626 = tpu.vector_load %arg11[%parallel_loop3A_625] {strides = array<i32>} : memref<8192xf32, #tpu.memory_space<vmem>>, vector<16xf32>,
        tpu.vector_store %arg11[%parallel_loop3A_625], %parallel_loop3A_624 {strides = array<i32>} : memref<8192xf32, #tpu.memory_space<vmem>>, vector<16xf32>,
      } {sc.loop_unroll_factor = 8 : i64, sc.parallel_access}
      "tpu.region"() ({
        %run_scoped3A = tpu.sem_alloc : memref<!tpu.dma_semaphore, #tpu.memory_space<semaphore_mem>>
        %dma_start3A_619 = arith.constant 0 : i32
        %dma_start3A_620 = tpu.memref_slice %arg6[%select_n3A_48, %select_n3A, %dma_start3A_619] : memref<3x8x8192xf32, #tpu.memory_space<hbm>> -> memref<1x1x8192xf32, #tpu.memory_space<hbm>>
        %dma_start3A_621 = tpu.memref_squeeze %dma_start3A_620 : memref<1x1x8192xf32, #tpu.memory_space<hbm>> -> memref<8192xf32, #tpu.memory_space<hbm>>
        %dma_start3A_622 = arith.constant 0 : i32
        %dma_start3A_623 = tpu.memref_slice %arg6[%select_n3A_48, %select_n3A, %dma_start3A_622] : memref<3x8x8192xf32, #tpu.memory_space<hbm>> -> memref<1x1x8192xf32, #tpu.memory_space<hbm>>
        %dma_start3A_624 = tpu.memref_squeeze %dma_start3A_623 : memref<1x1x8192xf32, #tpu.memory_space<hbm>> -> memref<8192xf32, #tpu.memory_space<hbm>>
        tpu.enqueue_dma source(%arg11 : memref<8192xf32, #tpu.memory_space<vmem>>) target(%dma_start3A_624 : memref<8192xf32, #tpu.memory_space<hbm>>) target_semaphore(%run_scoped3A : memref<!tpu.dma_semaphore, #tpu.memory_space<semaphore_mem>>)
        %dma_wait3A_625 = arith.constant 0 : i32
        %dma_wait3A_626 = tpu.memref_slice %arg6[%select_n3A_48, %select_n3A, %dma_wait3A_625] : memref<3x8x8192xf32, #tpu.memory_space<hbm>> -> memref<1x1x8192xf32, #tpu.memory_space<hbm>>
        %dma_wait3A_627 = tpu.memref_squeeze %dma_wait3A_626 : memref<1x1x8192xf32, #tpu.memory_space<hbm>> -> memref<8192xf32, #tpu.memory_space<hbm>>
        %dma_wait3A_628 = arith.constant 0 : i32
        %dma_wait3A_629 = tpu.memref_slice %arg6[%select_n3A_48, %select_n3A, %dma_wait3A_628] : memref<3x8x8192xf32, #tpu.memory_space<hbm>> -> memref<1x1x8192xf32, #tpu.memory_space<hbm>>
        %dma_wait3A_630 = tpu.memref_squeeze %dma_wait3A_629 : memref<1x1x8192xf32, #tpu.memory_space<hbm>> -> memref<8192xf32, #tpu.memory_space<hbm>>
        tpu.wait_dma2 semaphore(%run_scoped3A : memref<!tpu.dma_semaphore, #tpu.memory_space<semaphore_mem>>) src(%arg11 : memref<8192xf32, #tpu.memory_space<vmem>>) dst(%dma_wait3A_630 : memref<8192xf32, #tpu.memory_space<hbm>>)
        tpu.yield
      }) : () -> ()
    } else {
    }
    return
  }
}

</mosaic_0001>

<sc_bundles>
// kernel: _sc_gather.3.cloned.1.call-start
scs
__scs_entry_jumppad:
0x0: {  	(pc) =	sbr.rel $0x88, $3  }
0x1: {  	(tag) =	ssettag $0x0;
	lr =	simm.s32 $0x1  }
0x2: {  	[smem:$0x3F9E] =	sst lr;
	_ =	strace $0xD0000000  }
0x3: {  	_ = 	snop  }
0x4: {  	_ = 	snop  }
0x5: {  	_ = 	snop  }
0x6: {  	_ = 	snop  }
0x7: {  	_ = 	snop  }
__scs_overlays_trampoline_lowered:
0x8: {  	[smem:$0x3FAD] =	sst s0  }
0x9: {  	[smem:$0x3FAE] =	sst s1  }
0xa: {  	[smem:$0x3FAF] =	sst s2  }
0xb: {  	[smem:$0x3FB0] =	sst s3  }
0xc: {  	[smem:$0x3FB1] =	sst s4  }
0xd: {  	[smem:$0x3FB2] =	sst s5  }
0xe: {  	[smem:$0x3FB3] =	sst s6  }
0xf: {  	[smem:$0x3FB4] =	sst s7  }
0x10: {  	[smem:$0x3FB5] =	sst s8  }
0x11: {  	[smem:$0x3FB6] =	sst s9;
	s0 =	simm.s32 @!p0 $0x0  }
0x12: {  	s1 =	sld [smem:$0x3F9C];
	s0 =	simm.s32 @p0 $0x1  }
0x13: {  	[smem:$0x3FB7] =	sst s0;
	s0 =	simm.s32 @!p1 $0x0  }
0x14: {  	s2 =	sld [smem:$0x3F9B];
	s0 =	simm.s32 @p1 $0x1  }
0x15: {  	[smem:$0x3FB8] =	sst s0;
	s0 =	simm.s32 @!p2 $0x0  }
0x16: {  	s3 =	sld [smem:$0x3FDB];
	s0 =	simm.s32 @p2 $0x1  }
0x17: {  	s4 =	simm.s32 $0x1BF5;
	[smem:$0x3FBA] =	sst s0  }
0x18: {  	s0 =	sld [smem:$0x3F9D];
	_ =	swait.ge [sflag:s4], $0x0  }
0x19: {  	s7 =	sld [smem:$0x3F9E]  }
0x1a: {  	s8 =	sadd.s32 $0xFFFFE003, lr  }
0x1b: {  	s9 =	sadd.s32 $0xFFFFFEF7, lr;
	s5 =	simm.s32 $0xFFFFFFFF;
	p2 =	slt.u32 s8, $0xFFFFF086  }
0x1c: {  	p1 =	slt.u32 s9, $0xF7A;
	s5 =	simm.s32 @!p2 $0x0  }
0x1d: {  	s5 =	simm.s32 @p1 $0x1;
	p0 =	seq.s32 s7, s2  }
0x1e: {  	s7 =	smul.u32 @!p0 $0xF7A, s2;
	p2 =	seq.s32 @!p0 s5, $0x0  }
0x1f: {  	s9 =	smul.u32 $0xF7A, s1;
	s8 =	simm.s32 @!p0 $0x1BF5;
	p2 =	por !p2, p0  }
0x20: {  	[sflag:s8] =	ssyncset.s32 @!p0 $0xFFFFF086;
	s6 =	sadd.s32 @!p0 s3, s7;
	s7 =	simm.s32 @!p0 $0x108  }
0x21: {  	s3 =	sadd.s32 s3, s9;
	s6 =	sadd.s32 @!p0 $0x88, s6;
	s7 =	simm.s32 @p2 $0x1082  }
0x22: {  	[simem:s7], [sflag:s8] =	dma.local @!p0 [hbm:s6], $0xF7A  }
0x23: {  	s9 =	sor.u32 $0xD0000000, s2;
	s6 =	simm.s32 $0x108;
	_ =	swait.ge @!p0 [sflag:s8], $0x0  }
0x24: {  	s3 =	sadd.s32 $0x88, s3;
	s6 =	simm.s32 @!p1 $0x1082;
	[sflag:s4] =	ssyncset.s32 $0xFFFFF086  }
0x25: {  	[simem:s6], [sflag:s4] =	dma.local [hbm:s3], $0xF7A  }
0x26: {  	[smem:$0x3F9E] =	sst s1;
	(tag) =	ssettag s2;
	_ =	strace s9  }
0x27: {  	s1 =	sld [smem:$0x3FAE]  }
0x28: {  	s2 =	sld [smem:$0x3FAF]  }
0x29: {  	s4 =	sld [smem:$0x3FB1]  }
0x2a: {  	p0 =	seq.s32 s5, $0x0;
	s5 =	sld [smem:$0x3FB2]  }
0x2b: {  	s6 =	sld [smem:$0x3FB3]  }
0x2c: {  	s7 =	sld [smem:$0x3FB4]  }
0x2d: {  	s3 =	simm.s32 $0x108;
	s8 =	sld [smem:$0x3FB5]  }
0x2e: {  	s3 =	simm.s32 @!p0 $0x1082;
	s9 =	sld [smem:$0x3FB6]  }
0x2f: {  	lr =	sadd.s32 s0, s3;
	s0 =	sld [smem:$0x3FAD]  }
0x30: {  	s3 =	sld [smem:$0x3FB0]  }
0x31: {  	[smem:$0x3FB9] =	sst s10  }
0x32: {  	s10 =	sld [smem:$0x3FB7];
	_ =	sdelay $0x3  }
0x33: {  	p0 =	seq.s32 s10, $0x1;
	s10 =	sld [smem:$0x3FB9];
	_ =	sdelay $0x3  }
0x34: {  	[smem:$0x3FB9] =	sst s10  }
0x35: {  	s10 =	sld [smem:$0x3FB8];
	_ =	sdelay $0x3  }
0x36: {  	p1 =	seq.s32 s10, $0x1;
	s10 =	sld [smem:$0x3FB9];
	_ =	sdelay $0x3  }
0x37: {  	[smem:$0x3FB9] =	sst s10  }
0x38: {  	s10 =	sld [smem:$0x3FBA]  }
0x39: {  	_ = 	snop;
	(pc) =	sbr.ind lr, $3  }
0x3a: {  	_ = 	snop  }
0x3b: {  	_ = 	snop  }
0x3c: {  	p2 =	seq.s32 s10, $0x1;
	s10 =	sld [smem:$0x3FB9]  }
0x3d: {  	_ =	shalt  }
0x3e: {  	_ =	shalt  }
0x3f: {  	_ =	shalt  }
0x40: {  	_ =	shalt  }
0x41: {  	_ =	shalt  }
0x42: {  	_ =	shalt  }
0x43: {  	_ =	shalt  }
0x44: {  	_ =	shalt  }
0x45: {  	_ =	shalt  }
0x46: {  	_ =	shalt  }
0x47: {  	_ =	shalt  }
0x48: {  	_ =	shalt  }
0x49: {  	_ =	shalt  }
0x4a: {  	_ =	shalt  }
0x4b: {  	_ =	shalt  }
0x4c: {  	_ =	shalt  }
0x4d: {  	_ =	shalt  }
0x4e: {  	_ =	shalt  }
0x4f: {  	_ =	shalt  }
0x50: {  	_ =	shalt  }
0x51: {  	_ =	shalt  }
0x52: {  	_ =	shalt  }
0x53: {  	_ =	shalt  }
0x54: {  	_ =	shalt  }
0x55: {  	_ =	shalt  }
0x56: {  	_ =	shalt  }
0x57: {  	_ =	shalt  }
0x58: {  	_ =	shalt  }
0x59: {  	_ =	shalt  }
0x5a: {  	_ =	shalt  }
0x5b: {  	_ =	shalt  }
0x5c: {  	_ =	shalt  }
0x5d: {  	_ =	shalt  }
0x5e: {  	_ =	shalt  }
0x5f: {  	_ =	shalt  }
0x60: {  	_ =	shalt  }
0x61: {  	_ =	shalt  }
0x62: {  	_ =	shalt  }
0x63: {  	_ =	shalt  }
0x64: {  	_ =	shalt  }
0x65: {  	_ =	shalt  }
0x66: {  	_ =	shalt  }
0x67: {  	_ =	shalt  }
0x68: {  	_ =	shalt  }
0x69: {  	_ =	shalt  }
0x6a: {  	_ =	shalt  }
0x6b: {  	_ =	shalt  }
0x6c: {  	_ =	shalt  }
0x6d: {  	_ =	shalt  }
0x6e: {  	_ =	shalt  }
0x6f: {  	_ =	shalt  }
0x70: {  	_ =	shalt  }
0x71: {  	_ =	shalt  }
0x72: {  	_ =	shalt  }
0x73: {  	_ =	shalt  }
0x74: {  	_ =	shalt  }
0x75: {  	_ =	shalt  }
0x76: {  	_ =	shalt  }
0x77: {  	_ =	shalt  }
0x78: {  	_ =	shalt  }
0x79: {  	_ =	shalt  }
0x7a: {  	_ =	shalt  }
0x7b: {  	_ =	shalt  }
0x7c: {  	_ =	shalt  }
0x7d: {  	_ =	shalt  }
0x7e: {  	_ =	shalt  }
0x7f: {  	_ =	shalt  }
0x80: {  	_ =	shalt  }
0x81: {  	_ =	shalt  }
0x82: {  	_ =	shalt  }
0x83: {  	_ =	shalt  }
0x84: {  	_ =	shalt  }
0x85: {  	_ =	shalt  }
0x86: {  	_ =	shalt  }
0x87: {  	_ =	shalt  }
.Lfunc_end0:
.L_simem_size_0:
called_computation_lowered:
.L_overlay_start_0:
0x88: {  	s2 =	sld [smem:$0x3FD9]  }
0x89: {  	s3 =	sld [smem:$0x3FFE];
	_ =	sdelay $0x1  }
0x8a: {  	s1 =	srdreg.scid  }
0x8b: {  	s0 =	sand.u32 $0x1, s1  }
0x8c: {  	s15 =	sshll.u32 s0, $0xA;
	s2 =	sadd.s32 s3, s2  }
0x8d: {  	s2 =	sadd.s32 s2, s15  }
0x8e: {  	[smem:$0x3FC5] =	sst s2  }
0x8f: {  	_ = 	snop  }
0x90: {  	s2 =	sld [smem:$0x3FD0]  }
0x91: {  	s16 =	sld [smem:$0x3FC9]  }
0x92: {  	s4 =	sld [smem:$0x3FC8]  }
0x93: {  	s6 =	simm.s32 $0xA;
	s7 =	simm.s32 $0x10;
	s5 =	sld [smem:$0x3FC7]  }
0x94: {  	[smem:s7], [sflag:s6] =	dma.local [hbm:s2], $0x1  }
0x95: {  	_ =	swait.eq [sflag:s6], $0x1  }
0x96: {  	[sflag:s6] =	ssyncset.done $0x0  }
0x97: {  	s17 =	sld [smem:$0x10];
	[sflag:s6] =	ssyncadd.s32 $0xFFFFFFFF  }
0x98: {  	s18 =	sld [smem:$0x11];
	(tm) =	ssettm $0x1  }
0x99: {  	s19 =	sld [smem:$0x3FFB];
	_ =	sdelay $0x3  }
0x9a: {  	_ =	strace s19  }
0x9b: {  	s7 =	sld [smem:$0x3FFC];
	_ =	sdelay $0x3  }
0x9c: {  	_ =	strace s7  }
0x9d: {  	s7 =	sld [smem:$0x3FFD];
	_ =	sdelay $0x3  }
0x9e: {  	_ =	strace s7  }
0x9f: {  	_ =	strace $0x8FFFFFFF  }
0xa0: {  	s20 =	sld [smem:$0x3FDB];
	_ =	sdelay $0x1  }
0xa1: {  	s8 =	simm.s32 $_scs_section_size  }
0xa2: {  	s9 =	simm.s32 $_size__tile_overlayer_lowered;
	s10 =	simm.s32 $_tile_overlayer_lowered  }
0xa3: {  	s23 =	simm.s32 $0x1BFF;
	s22 =	sshll.u32 s10, $0x1;
	s7 =	sadd.s32 s8, s20  }
0xa4: {  	s11 =	simm.s32 $0x0;
	s21 =	sshll.u32 s9, $0x1;
	s9 =	sadd.s32 s22, s7  }
0xa5: {  	[timem:s11], [sflag:s23] =	dma.local [hbm:s9], s21  }
0xa6: {  	_ =	swait.ge [sflag:s23], s21  }
0xa7: {  	s8 =	ssub.s32 $0x0, s21;
	[sflag:s23] =	ssyncset.done $0x0  }
0xa8: {  	[sflag:s23] =	ssyncadd.s32 s8;
	_ =	sdelay $0x1  }
0xa9: {  	s24 =	simm.s32 $0x1B8B  }
0xaa: {  	_ =	swait.ge [sflag:s24], $0x1  }
0xab: {  	[sflag:s24] =	ssyncset.done $0x0  }
0xac: {  	s25 =	simm.s32 $0x1B8E;
	[sflag:s24] =	ssyncadd.s32 $0xFFFFFFFF  }
0xad: {  	s26 =	simm.s32 $execute0_lowered;
	[smem:$0x3FD2] =	sst s25  }
0xae: {  	s8 =	sshll.u32 s26, $0x1;
	_ =	strace $0x80000046;
	[dreg:$0x1] =	wrdreg $0xFFFFFFFF  }
0xaf: {  	s28 =	simm.s32 $_size_execute0_lowered;
	s7 =	sadd.s32 s7, s8;
	[dreg:$0x0] =	wrdreg $0x0  }
0xb0: {  	s8 =	sshll.u32 s28, $0x1;
	[dreg:$0x2] =	wrdreg s7  }
0xb1: {  	[dreg:$0x3] =	wrdreg s8  }
0xb2: {  	[dreg:$0x4] =	wrdreg $0xC0  }
0xb3: {  	_ =	task [dreg:s11], $0x5FFFF  }
0xb4: {  	[dreg:$0x1] =	wrdreg $0xFFFFFFFF  }
0xb5: {  	[dreg:$0x0] =	wrdreg $0x60  }
0xb6: {  	[dreg:$0x2] =	wrdreg s16  }
0xb7: {  	[dreg:$0x3] =	wrdreg s4  }
0xb8: {  	[dreg:$0x4] =	wrdreg s5  }
0xb9: {  	[dreg:$0x5] =	wrdreg s17  }
0xba: {  	[dreg:$0x6] =	wrdreg s18  }
0xbb: {  	[dreg:$0x7] =	wrdreg $0x9  }
0xbc: {  	_ =	task.clear_ibuf [dreg:s11], $0x8FFFF;
	_ =	strace $0x90000046  }
0xbd: {  	s29 =	simm.s32 $0x9;
	_ =	strace $0x80000048  }
0xbe: {  	_ =	swait.ge [sflag:s29], $0x1  }
0xbf: {  	[sflag:s29] =	ssyncadd.s32 $0xFFFFFFFF  }
0xc0: {  	_ =	strace $0x90000048  }
0xc1: {  	_ =	sfence  }
0xc2: {  	s30 =	sld [smem:$0x0];
	_ =	sdelay $0x2  }
0xc3: {  	s31 =	sshll.u32 s1, $0xD;
	s1 =	sshrl.u32 s1, $0x2  }
0xc4: {  	s3 =	sand.u32 $0x4000, s31;
	s1 =	sadd.s32 s1, s30  }
0xc5: {  	s0 =	sor.u32 s3, s0;
	s1 =	sshll.u32 s1, $0x11  }
0xc6: {  	s0 =	sor.u32 s1, s0  }
0xc7: {  	s0 =	sadd.s32 $0x8F2B, s0  }
0xc8: {  	[sflag:s0] =	ssyncadd.remote.s32 $0x1  }
0xc9: {  	_ =	sfence.sel $0xFFFF  }
0xca: {  	[dreg:$0x0] =	wrdreg $0xFFFFFFFF;
	(pc) =	sbr.abs _section_cstart, $3  }
0xcb: {  	[dreg:$0x1] =	wrdreg $0xFFFFFFFF  }
0xcc: {  	_ =	task.clear_ibuf [dreg:s11], $0x2FFFF;
	_ =	strace $0x9FFFFFFF  }
0xcd: {  	(tm) =	ssettm $0x7FFFFFFF  }
tec
execute0_lowered:
.L_overlay_start_1:
0x0: {  	(tag) =	ssettag $0x1  }
0x1: {  	s1 =	rddreg [dreg:$0x0]  }
0x2: {  	s0 =	srdreg.scid;
	s2 =	rddreg [dreg:$0x1]  }
0x3: {  	s8 =	stileid.u32;
	s6 =	rddreg [dreg:$0x2]  }
0x4: {  	s3 =	sand.u32 $0x1, s0;
	s5 =	sshll.u32 s8, $0x1;
	s0 =	rddreg [dreg:$0x3]  }
0x5: {  	s24 =	sshrl.u32 s8, $0x1;
	s17 =	sadd.s32 $0x40, s1;
	s13 =	sadd.s32 $0x50, s1  }
0x6: {  	s20 =	sadd.s32 $0x70, s1;
	s4 =	ssub.s32 $0x2, s3;
	s5 =	sand.u32 $0x2, s5  }
0x7: {  	s8 =	sshll.u32 s24, $0x15;
	s10 =	sshll.u32 s24, $0x4;
	s23 =	sshll.u32 s24, $0x13  }
0x8: {  	s7 =	sshrl.u32 s4, $0x1;
	s5 =	sor.u32 s3, s5;
	s3 =	sshll.u32 s24, $0x7  }
0x9: {  	s6 =	sadd.s32 s6, s10;
	s4 =	ssub.s32 s4, s7;
	s9 =	sshll.u32 s5, $0x13  }
0xa: {  	s11 =	sshll.u32 s5, $0x12;
	[dreg:$0x6] =	wrdreg s6;
	s24 =	sshll.u32 s5, $0x11  }
0xb: {  	s14 =	sshllo.u32 s5, $0x1;
	s10 =	sshll.u32 s5, $0x10;
	p0 =	seq.s32 s5, $0x3  }
0xc: {  	s5 =	simm.s32 $0x80;
	s9 =	sor.u32 s8, s9;
	s25 =	sor.u32 s3, s11  }
0xd: {  	s11 =	sadd.s32 $0x10, s1;
	s7 =	sor.u32 s23, s24;
	s6 =	sshrl.u32 s9, $0x3  }
0xe: {  	s19 =	sshll.u32 s14, $0x12;
	s9 =	sshrl.u32 s25, $0x3;
	s26 =	sadd.s32 s1, s6  }
0xf: {  	s14 =	sshll.u32 s14, $0x10;
	s2 =	sadd.s32 s2, s9;
	[dreg:$0x7] =	wrdreg s26  }
0x10: {  	s25 =	sadd.s32 $0x20, s1;
	s22 =	sadd.s32 s6, s11;
	[dreg:$0x8] =	wrdreg s2  }
0x11: {  	s4 =	smax.u32 s4, $0x1;
	s12 =	sadd.s32 s6, s25;
	[dreg:$0x9] =	wrdreg s22  }
0x12: {  	s8 =	sor.u32 s8, s19;
	s15 =	sadd.s32 s6, s17;
	[dreg:$0xa] =	wrdreg s12  }
0x13: {  	s18 =	sadd.s32 s6, s13;
	s8 =	sshrl.u32 s8, $0x3;
	[dreg:$0xc] =	wrdreg s15  }
0x14: {  	s9 =	simm.s32 $0x0;
	s26 =	sadd.s32 $0x30, s1;
	[dreg:$0xd] =	wrdreg s18  }
0x15: {  	s2 =	sor.u32 s23, s14;
	s22 =	sadd.s32 s8, s11;
	[smem:$0x7FF] =	sst s9  }
0x16: {  	s23 =	sadd.s32 s8, s25;
	s25 =	sadd.s32 s8, s17;
	[dreg:$0x11] =	wrdreg s22  }
0x17: {  	s11 =	sshrl.u32 s7, $0x3;
	s14 =	sadd.s32 $0x20, s0;
	[dreg:$0x12] =	wrdreg s23  }
0x18: {  	s15 =	sadd.s32 $0x30, s0;
	s17 =	sadd.s32 $0x40, s0;
	[dreg:$0x14] =	wrdreg s25  }
0x19: {  	s18 =	sadd.s32 $0x50, s0;
	s16 =	sadd.s32 s6, s26;
	s22 =	rddreg [dreg:$0x4]  }
0x1a: {  	s9 =	simm.s32 $0x1;
	s24 =	sadd.s32 s8, s26;
	[dreg:$0xb] =	wrdreg s16  }
0x1b: {  	s26 =	sadd.s32 s8, s13;
	s12 =	sadd.s32 s0, s11;
	[dreg:$0x13] =	wrdreg s24  }
0x1c: {  	s13 =	sadd.s32 $0x10, s0;
	s23 =	sadd.s32 s11, s15;
	[dreg:$0x15] =	wrdreg s26  }
0x1d: {  	s16 =	sadd.s32 $0x60, s1;
	s1 =	sadd.s32 s1, s8;
	[dreg:$0x18] =	wrdreg s12  }
0x1e: {  	s25 =	sadd.s32 s11, s18;
	s7 =	sadd.s32 s11, s13;
	[dreg:$0x10] =	wrdreg s1  }
0x1f: {  	s24 =	sadd.s32 s11, s17;
	s21 =	sadd.s32 s6, s16;
	[dreg:$0x19] =	wrdreg s7  }
0x20: {  	s12 =	simm.s32 $0x2;
	s6 =	sadd.s32 s6, s20;
	[dreg:$0xe] =	wrdreg s21  }
0x21: {  	s7 =	simm.s32 $0x6;
	[dreg:$0xf] =	wrdreg s6;
	s6 =	sadd.s32 s8, s16  }
0x22: {  	s8 =	sadd.s32 s8, s20;
	s16 =	sadd.s32 s11, s14;
	[dreg:$0x16] =	wrdreg s6  }
0x23: {  	s20 =	sadd.s32 $0x60, s0;
	s21 =	sadd.s32 $0x70, s0;
	[dreg:$0x17] =	wrdreg s8  }
0x24: {  	s6 =	sor.u32 s3, s10;
	s3 =	sshrl.u32 s2, $0x3;
	[dreg:$0x1a] =	wrdreg s16  }
0x25: {  	s26 =	sadd.s32 s11, s20;
	s28 =	sadd.s32 s11, s21;
	s8 =	simm.s32 $0x2000  }
0x26: {  	s10 =	simm.s32 $0xA000;
	s11 =	simm.s32 $0x1A000;
	s16 =	simm.s32 $0x12000  }
0x27: {  	s29 =	sadd.s32 s0, s3;
	s30 =	sadd.s32 s3, s13;
	s31 =	sadd.s32 s3, s14  }
.Ltmp0:
0x28: {  	s0 =	sadd.s32 s3, s15;
	s19 =	sadd.s32 s3, s17;
	(pc) =	sbr.rel .LBB2_1-.Ltmp0, $4  }
0x29: {  	s1 =	sadd.s32 s3, s18;
	s2 =	sadd.s32 s3, s20;
	s6 =	sshrl.u32 s6, $0x3  }
0x2a: {  	s3 =	sadd.s32 s3, s21;
	s13 =	simm.s32 $0x1C000;
	s6 =	sadd.s32 s22, s6  }
0x2b: {  	s14 =	simm.s32 $0x3;
	s15 =	simm.s32 $0x4;
	[dreg:$0x1b] =	wrdreg s6  }
0x2c: {  	s17 =	simm.s32 $0x0;
	s6 =	simm.s32 $0x400;
	_ =	strace $0x80000047  }
.LBB2_36:
0x2d: {  	[tilespmem:s18+$0xFFFFFFE0] =	vst v5  }
0x2e: {  	[tilespmem:s18+$0xFFFFFFF0] =	vst v3  }
0x2f: {  	[tilespmem:s18+$0x0] =	vst v0  }
0x30: {  	[tilespmem:s18+$0x10] =	vst v1  }
0x31: {  	[tilespmem:s18+$0x20] =	vst v2  }
0x32: {  	[tilespmem:s18+$0xFFFFFFC0] =	vst v4  }
0x33: {  	s18 =	rddreg [dreg:$0x1b]  }
0x34: {  	[hbm4b:s18+s5] =	stream.strided.scatter [tilespmem:s11], [sflag:$0x6], $0x2000, s6, s5, $0x38;
	[tilespmem:$0x1E000] =	vst v63  }
0x35: {  	_ =	swait.ge [sflag:s7], $0x2000  }
0x36: {  	[sflag:s7] =	ssyncset.done $0x0  }
0x37: {  	[sflag:s7] =	ssyncadd.s32 $0xFFFFE000  }
.LBB2_37:
0x38: {  	s17 =	sadd.s32 $0x1, s17  }
0x39: {  	p1 =	sne.s32 s17, s4  }
.Ltmp1:
0x3a: {  	_ = 	snop;
	(pc) =	sbr.rel @!p1 .LBB2_38-.Ltmp1, $1  }
0x3b: {  	_ =	sdelay $0x3  }
.LBB2_1:
0x3c: {  	s18 =	rddreg [dreg:$0x6];
	s20 =	simm.s32 $0x0  }
0x3d: {  	[tilespmem:s20], [sflag:$0x6] =	stream.strided.gather [hbm4b:s18+s5], $0x2000, s6, s5, $0x38;
	[tilespmem:$0x1E000] =	vst v63  }
0x3e: {  	_ =	swait.ge [sflag:s7], $0x2000  }
0x3f: {  	[sflag:s7] =	ssyncset.done $0x0  }
0x40: {  	s21 =	simm.s32 @!p0 $0x12000;
	s20 =	rddreg [dreg:$0x7];
	[sflag:s7] =	ssyncadd.s32 $0xFFFFE000  }
0x41: {  	[tilespmem:s8], [sflag:$0x1] =	stream.strided.gather [hbm4b:s20+s5], $0x8000, s6, s5, $0x38;
	[tilespmem:$0x1E000] =	vst v63  }
0x42: {  	s18 =	simm.s32 @!p0 $0x80;
	s22 =	rddreg [dreg:$0x8];
	s20 =	simm.s32 @!p0 $0x400  }
0x43: {  	[tilespmem:s21], [sflag:$0x5] =	stream.strided.gather @!p0 [hbm4b:s22+s18], $0x8000, s20, s18, $0x38;
	[tilespmem:$0x1E000] =	vst v63  }
0x44: {  	_ =	swait.ge [sflag:s9], $0x8000  }
0x45: {  	[sflag:s9] =	ssyncset.done $0x0  }
0x46: {  	s22 =	simm.s32 $0x40;
	s21 =	rddreg [dreg:$0x9];
	[sflag:s9] =	ssyncadd.s32 $0xFFFF8000  }
0x47: {  	[tilespmem:s10], [sflag:$0x2] =	stream.strided.gather [hbm4b:s21+s5], $0x8000, s6, s5, $0x38;
	[tilespmem:$0x1E000] =	vst v63  }
0x48: {  	v0 =	vld [tilespmem:s22+$0x30]  }
0x49: {  	v1 =	vld [tilespmem:s22+$0xFFFFFFD0]  }
0x4a: {  	v2 =	vld [tilespmem:s22+$0xFFFFFFE0]  }
0x4b: {  	v3 =	vld [tilespmem:s22+$0xFFFFFFF0]  }
0x4c: {  	v4 =	vld [tilespmem:s22+$0x0]  }
0x4d: {  	v6 =	vld [tilespmem:s22+$0x10]  }
0x4e: {  	v7 =	vld [tilespmem:s22+$0x20]  }
0x4f: {  	v8 =	vld [tilespmem:s22+$0xFFFFFFC0]  }
0x50: {  	v9 =	vld.idx.msk [tilespmem:v0+s8+$0x0], $0xffff  }
0x51: {  	v10 =	vld.idx.msk [tilespmem:v1+s8+$0x0], $0xffff  }
0x52: {  	v5 =	vld.idx.msk [tilespmem:v2+s8+$0x0], $0xffff  }
0x53: {  	v3 =	vld.idx.msk [tilespmem:v3+s8+$0x0], $0xffff  }
0x54: {  	v0 =	vld.idx.msk [tilespmem:v4+s8+$0x0], $0xffff  }
0x55: {  	s18 =	simm.s32 $0x1A040;
	v1 =	vld.idx.msk [tilespmem:v6+s8+$0x0], $0xffff  }
0x56: {  	v2 =	vld.idx.msk [tilespmem:v7+s8+$0x0], $0xffff;
	[tilespmem:s18+$0x30] =	vst v9  }
0x57: {  	s20 =	simm.s32 $0x0;
	s21 =	simm.s32 $0xC0;
	v4 =	vld.idx.msk [tilespmem:v8+s8+$0x0], $0xffff;
	[tilespmem:s18+$0xFFFFFFD0] =	vst v10  }
.LBB2_2:
0x58: {  	v6 =	vld [tilespmem:s21+$0x30];
	s20 =	sadd.s32 $0x8, s20;
	[tilespmem:s18+$0xFFFFFFE0] =	vst v5  }
0x59: {  	v5 =	vld [tilespmem:s21+$0xFFFFFFD0];
	p1 =	slt.u32 s20, $0x1F8;
	[tilespmem:s18+$0xFFFFFFF0] =	vst v3  }
0x5a: {  	v3 =	vld [tilespmem:s21+$0xFFFFFFE0];
	[tilespmem:s18+$0x0] =	vst v0  }
0x5b: {  	v0 =	vld [tilespmem:s21+$0xFFFFFFF0];
	[tilespmem:s18+$0x10] =	vst v1  }
0x5c: {  	v1 =	vld [tilespmem:s21+$0x0];
	[tilespmem:s18+$0x20] =	vst v2  }
0x5d: {  	v2 =	vld [tilespmem:s21+$0x10];
	[tilespmem:s18+$0xFFFFFFC0] =	vst v4  }
0x5e: {  	v4 =	vld [tilespmem:s21+$0x20]  }
0x5f: {  	v7 =	vld [tilespmem:s21+$0xFFFFFFC0]  }
0x60: {  	v6 =	vld.idx.msk [tilespmem:v6+s8+$0x0], $0xffff  }
0x61: {  	v8 =	vld.idx.msk [tilespmem:v5+s8+$0x0], $0xffff  }
0x62: {  	v5 =	vld.idx.msk [tilespmem:v3+s8+$0x0], $0xffff  }
.Ltmp2:
0x63: {  	v3 =	vld.idx.msk [tilespmem:v0+s8+$0x0], $0xffff;
	(pc) =	sbr.rel @p1 .LBB2_2-.Ltmp2, $4  }
0x64: {  	v0 =	vld.idx.msk [tilespmem:v1+s8+$0x0], $0xffff  }
0x65: {  	s18 =	sadd.s32 $0x80, s18;
	v1 =	vld.idx.msk [tilespmem:v2+s8+$0x0], $0xffff  }
0x66: {  	v2 =	vld.idx.msk [tilespmem:v4+s8+$0x0], $0xffff;
	[tilespmem:s18+$0x30] =	vst v6  }
0x67: {  	s21 =	sadd.s32 $0x80, s21;
	v4 =	vld.idx.msk [tilespmem:v7+s8+$0x0], $0xffff;
	[tilespmem:s18+$0xFFFFFFD0] =	vst v8  }
0x68: {  	[tilespmem:s18+$0xFFFFFFE0] =	vst v5  }
0x69: {  	[tilespmem:s18+$0xFFFFFFF0] =	vst v3  }
0x6a: {  	[tilespmem:s18+$0x0] =	vst v0  }
0x6b: {  	[tilespmem:s18+$0x10] =	vst v1  }
0x6c: {  	[tilespmem:s18+$0x20] =	vst v2  }
0x6d: {  	[tilespmem:s18+$0xFFFFFFC0] =	vst v4  }
0x6e: {  	s18 =	rddreg [dreg:$0x18]  }
0x6f: {  	[hbm4b:s18+s5] =	stream.strided.scatter [tilespmem:s11], [sflag:$0x3], $0x2000, s6, s5, $0x38;
	[tilespmem:$0x1E000] =	vst v63  }
0x70: {  	_ =	swait.ge [sflag:s12], $0x8000  }
0x71: {  	[sflag:s12] =	ssyncset.done $0x0  }
0x72: {  	s22 =	simm.s32 $0x40;
	s21 =	rddreg [dreg:$0xa];
	[sflag:s12] =	ssyncadd.s32 $0xFFFF8000  }
0x73: {  	[tilespmem:s8], [sflag:$0x1] =	stream.strided.gather [hbm4b:s21+s5], $0x8000, s6, s5, $0x38;
	[tilespmem:$0x1E000] =	vst v63  }
0x74: {  	v0 =	vld [tilespmem:s22+$0x30]  }
0x75: {  	v1 =	vld [tilespmem:s22+$0xFFFFFFD0]  }
0x76: {  	v2 =	vld [tilespmem:s22+$0xFFFFFFE0]  }
0x77: {  	v3 =	vld [tilespmem:s22+$0xFFFFFFF0]  }
0x78: {  	v4 =	vld [tilespmem:s22+$0x0]  }
0x79: {  	v6 =	vld [tilespmem:s22+$0x10]  }
0x7a: {  	v7 =	vld [tilespmem:s22+$0x20]  }
0x7b: {  	v8 =	vld [tilespmem:s22+$0xFFFFFFC0]  }
0x7c: {  	v9 =	vld.idx.msk [tilespmem:v0+s10+$0x0], $0xffff  }
0x7d: {  	v10 =	vld.idx.msk [tilespmem:v1+s10+$0x0], $0xffff  }
0x7e: {  	v5 =	vld.idx.msk [tilespmem:v2+s10+$0x0], $0xffff  }
0x7f: {  	v3 =	vld.idx.msk [tilespmem:v3+s10+$0x0], $0xffff  }
0x80: {  	v0 =	vld.idx.msk [tilespmem:v4+s10+$0x0], $0xffff  }
0x81: {  	s18 =	simm.s32 $0x1C040;
	v1 =	vld.idx.msk [tilespmem:v6+s10+$0x0], $0xffff  }
0x82: {  	v2 =	vld.idx.msk [tilespmem:v7+s10+$0x0], $0xffff;
	[tilespmem:s18+$0x30] =	vst v9  }
0x83: {  	s20 =	simm.s32 $0x0;
	s21 =	simm.s32 $0xC0;
	v4 =	vld.idx.msk [tilespmem:v8+s10+$0x0], $0xffff;
	[tilespmem:s18+$0xFFFFFFD0] =	vst v10  }
.LBB2_4:
0x84: {  	v6 =	vld [tilespmem:s21+$0x30];
	s20 =	sadd.s32 $0x8, s20;
	[tilespmem:s18+$0xFFFFFFE0] =	vst v5  }
0x85: {  	v5 =	vld [tilespmem:s21+$0xFFFFFFD0];
	p1 =	slt.u32 s20, $0x1F8;
	[tilespmem:s18+$0xFFFFFFF0] =	vst v3  }
0x86: {  	v3 =	vld [tilespmem:s21+$0xFFFFFFE0];
	[tilespmem:s18+$0x0] =	vst v0  }
0x87: {  	v0 =	vld [tilespmem:s21+$0xFFFFFFF0];
	[tilespmem:s18+$0x10] =	vst v1  }
0x88: {  	v1 =	vld [tilespmem:s21+$0x0];
	[tilespmem:s18+$0x20] =	vst v2  }
0x89: {  	v2 =	vld [tilespmem:s21+$0x10];
	[tilespmem:s18+$0xFFFFFFC0] =	vst v4  }
0x8a: {  	v4 =	vld [tilespmem:s21+$0x20]  }
0x8b: {  	v7 =	vld [tilespmem:s21+$0xFFFFFFC0]  }
0x8c: {  	v6 =	vld.idx.msk [tilespmem:v6+s10+$0x0], $0xffff  }
0x8d: {  	v8 =	vld.idx.msk [tilespmem:v5+s10+$0x0], $0xffff  }
0x8e: {  	v5 =	vld.idx.msk [tilespmem:v3+s10+$0x0], $0xffff  }
.Ltmp3:
0x8f: {  	v3 =	vld.idx.msk [tilespmem:v0+s10+$0x0], $0xffff;
	(pc) =	sbr.rel @p1 .LBB2_4-.Ltmp3, $4  }
0x90: {  	v0 =	vld.idx.msk [tilespmem:v1+s10+$0x0], $0xffff  }
0x91: {  	s18 =	sadd.s32 $0x80, s18;
	v1 =	vld.idx.msk [tilespmem:v2+s10+$0x0], $0xffff  }
0x92: {  	v2 =	vld.idx.msk [tilespmem:v4+s10+$0x0], $0xffff;
	[tilespmem:s18+$0x30] =	vst v6  }
0x93: {  	s21 =	sadd.s32 $0x80, s21;
	v4 =	vld.idx.msk [tilespmem:v7+s10+$0x0], $0xffff;
	[tilespmem:s18+$0xFFFFFFD0] =	vst v8  }
0x94: {  	[tilespmem:s18+$0xFFFFFFE0] =	vst v5  }
0x95: {  	[tilespmem:s18+$0xFFFFFFF0] =	vst v3  }
0x96: {  	[tilespmem:s18+$0x0] =	vst v0  }
0x97: {  	[tilespmem:s18+$0x10] =	vst v1  }
0x98: {  	[tilespmem:s18+$0x20] =	vst v2  }
0x99: {  	[tilespmem:s18+$0xFFFFFFC0] =	vst v4  }
0x9a: {  	s18 =	rddreg [dreg:$0x19]  }
0x9b: {  	[hbm4b:s18+s5] =	stream.strided.scatter [tilespmem:s13], [sflag:$0x4], $0x2000, s6, s5, $0x38;
	[tilespmem:$0x1E000] =	vst v63  }
0x9c: {  	_ =	swait.ge [sflag:s9], $0x8000  }
0x9d: {  	[sflag:s9] =	ssyncset.done $0x0  }
0x9e: {  	s21 =	rddreg [dreg:$0xb];
	[sflag:s9] =	ssyncadd.s32 $0xFFFF8000  }
0x9f: {  	[tilespmem:s10], [sflag:$0x2] =	stream.strided.gather [hbm4b:s21+s5], $0x8000, s6, s5, $0x38;
	[tilespmem:$0x1E000] =	vst v63  }
0xa0: {  	_ =	swait.ge [sflag:s14], $0x2000  }
0xa1: {  	[sflag:s14] =	ssyncset.done $0x0  }
0xa2: {  	s22 =	simm.s32 $0x40;
	[sflag:s14] =	ssyncadd.s32 $0xFFFFE000  }
0xa3: {  	v0 =	vld [tilespmem:s22+$0x30]  }
0xa4: {  	v1 =	vld [tilespmem:s22+$0xFFFFFFD0]  }
0xa5: {  	v2 =	vld [tilespmem:s22+$0xFFFFFFE0]  }
0xa6: {  	v3 =	vld [tilespmem:s22+$0xFFFFFFF0]  }
0xa7: {  	v4 =	vld [tilespmem:s22+$0x0]  }
0xa8: {  	v6 =	vld [tilespmem:s22+$0x10]  }
0xa9: {  	v7 =	vld [tilespmem:s22+$0x20]  }
0xaa: {  	v8 =	vld [tilespmem:s22+$0xFFFFFFC0]  }
0xab: {  	v9 =	vld.idx.msk [tilespmem:v0+s8+$0x0], $0xffff  }
0xac: {  	v10 =	vld.idx.msk [tilespmem:v1+s8+$0x0], $0xffff  }
0xad: {  	v5 =	vld.idx.msk [tilespmem:v2+s8+$0x0], $0xffff  }
0xae: {  	v3 =	vld.idx.msk [tilespmem:v3+s8+$0x0], $0xffff  }
0xaf: {  	v0 =	vld.idx.msk [tilespmem:v4+s8+$0x0], $0xffff  }
0xb0: {  	s18 =	simm.s32 $0x1A040;
	v1 =	vld.idx.msk [tilespmem:v6+s8+$0x0], $0xffff  }
0xb1: {  	v2 =	vld.idx.msk [tilespmem:v7+s8+$0x0], $0xffff;
	[tilespmem:s18+$0x30] =	vst v9  }
0xb2: {  	s20 =	simm.s32 $0x0;
	s21 =	simm.s32 $0xC0;
	v4 =	vld.idx.msk [tilespmem:v8+s8+$0x0], $0xffff;
	[tilespmem:s18+$0xFFFFFFD0] =	vst v10  }
.LBB2_6:
0xb3: {  	v6 =	vld [tilespmem:s21+$0x30];
	s20 =	sadd.s32 $0x8, s20;
	[tilespmem:s18+$0xFFFFFFE0] =	vst v5  }
0xb4: {  	v5 =	vld [tilespmem:s21+$0xFFFFFFD0];
	p1 =	slt.u32 s20, $0x1F8;
	[tilespmem:s18+$0xFFFFFFF0] =	vst v3  }
0xb5: {  	v3 =	vld [tilespmem:s21+$0xFFFFFFE0];
	[tilespmem:s18+$0x0] =	vst v0  }
0xb6: {  	v0 =	vld [tilespmem:s21+$0xFFFFFFF0];
	[tilespmem:s18+$0x10] =	vst v1  }
0xb7: {  	v1 =	vld [tilespmem:s21+$0x0];
	[tilespmem:s18+$0x20] =	vst v2  }
0xb8: {  	v2 =	vld [tilespmem:s21+$0x10];
	[tilespmem:s18+$0xFFFFFFC0] =	vst v4  }
0xb9: {  	v4 =	vld [tilespmem:s21+$0x20]  }
0xba: {  	v7 =	vld [tilespmem:s21+$0xFFFFFFC0]  }
0xbb: {  	v6 =	vld.idx.msk [tilespmem:v6+s8+$0x0], $0xffff  }
0xbc: {  	v8 =	vld.idx.msk [tilespmem:v5+s8+$0x0], $0xffff  }
0xbd: {  	v5 =	vld.idx.msk [tilespmem:v3+s8+$0x0], $0xffff  }
.Ltmp4:
0xbe: {  	v3 =	vld.idx.msk [tilespmem:v0+s8+$0x0], $0xffff;
	(pc) =	sbr.rel @p1 .LBB2_6-.Ltmp4, $4  }
0xbf: {  	v0 =	vld.idx.msk [tilespmem:v1+s8+$0x0], $0xffff  }
0xc0: {  	s18 =	sadd.s32 $0x80, s18;
	v1 =	vld.idx.msk [tilespmem:v2+s8+$0x0], $0xffff  }
0xc1: {  	v2 =	vld.idx.msk [tilespmem:v4+s8+$0x0], $0xffff;
	[tilespmem:s18+$0x30] =	vst v6  }
0xc2: {  	s21 =	sadd.s32 $0x80, s21;
	v4 =	vld.idx.msk [tilespmem:v7+s8+$0x0], $0xffff;
	[tilespmem:s18+$0xFFFFFFD0] =	vst v8  }
0xc3: {  	[tilespmem:s18+$0xFFFFFFE0] =	vst v5  }
0xc4: {  	[tilespmem:s18+$0xFFFFFFF0] =	vst v3  }
0xc5: {  	[tilespmem:s18+$0x0] =	vst v0  }
0xc6: {  	[tilespmem:s18+$0x10] =	vst v1  }
0xc7: {  	[tilespmem:s18+$0x20] =	vst v2  }
0xc8: {  	[tilespmem:s18+$0xFFFFFFC0] =	vst v4  }
0xc9: {  	s18 =	rddreg [dreg:$0x1a]  }
0xca: {  	[hbm4b:s18+s5] =	stream.strided.scatter [tilespmem:s11], [sflag:$0x3], $0x2000, s6, s5, $0x38;
	[tilespmem:$0x1E000] =	vst v63  }
0xcb: {  	_ =	swait.ge [sflag:s12], $0x8000  }
0xcc: {  	[sflag:s12] =	ssyncset.done $0x0  }
0xcd: {  	s21 =	rddreg [dreg:$0xc];
	[sflag:s12] =	ssyncadd.s32 $0xFFFF8000  }
0xce: {  	[tilespmem:s8], [sflag:$0x1] =	stream.strided.gather [hbm4b:s21+s5], $0x8000, s6, s5, $0x38;
	[tilespmem:$0x1E000] =	vst v63  }
0xcf: {  	_ =	swait.ge [sflag:s15], $0x2000  }
0xd0: {  	[sflag:s15] =	ssyncset.done $0x0  }
0xd1: {  	s22 =	simm.s32 $0x40;
	[sflag:s15] =	ssyncadd.s32 $0xFFFFE000  }
0xd2: {  	v0 =	vld [tilespmem:s22+$0x30]  }
0xd3: {  	v1 =	vld [tilespmem:s22+$0xFFFFFFD0]  }
0xd4: {  	v2 =	vld [tilespmem:s22+$0xFFFFFFE0]  }
0xd5: {  	v3 =	vld [tilespmem:s22+$0xFFFFFFF0]  }
0xd6: {  	v4 =	vld [tilespmem:s22+$0x0]  }
0xd7: {  	v6 =	vld [tilespmem:s22+$0x10]  }
0xd8: {  	v7 =	vld [tilespmem:s22+$0x20]  }
0xd9: {  	v8 =	vld [tilespmem:s22+$0xFFFFFFC0]  }
0xda: {  	v9 =	vld.idx.msk [tilespmem:v0+s10+$0x0], $0xffff  }
0xdb: {  	v10 =	vld.idx.msk [tilespmem:v1+s10+$0x0], $0xffff  }
0xdc: {  	v5 =	vld.idx.msk [tilespmem:v2+s10+$0x0], $0xffff  }
0xdd: {  	v3 =	vld.idx.msk [tilespmem:v3+s10+$0x0], $0xffff  }
0xde: {  	v0 =	vld.idx.msk [tilespmem:v4+s10+$0x0], $0xffff  }
0xdf: {  	s18 =	simm.s32 $0x1C040;
	v1 =	vld.idx.msk [tilespmem:v6+s10+$0x0], $0xffff  }
0xe0: {  	v2 =	vld.idx.msk [tilespmem:v7+s10+$0x0], $0xffff;
	[tilespmem:s18+$0x30] =	vst v9  }
0xe1: {  	s20 =	simm.s32 $0x0;
	s21 =	simm.s32 $0xC0;
	v4 =	vld.idx.msk [tilespmem:v8+s10+$0x0], $0xffff;
	[tilespmem:s18+$0xFFFFFFD0] =	vst v10  }
.LBB2_8:
0xe2: {  	v6 =	vld [tilespmem:s21+$0x30];
	s20 =	sadd.s32 $0x8, s20;
	[tilespmem:s18+$0xFFFFFFE0] =	vst v5  }
0xe3: {  	v5 =	vld [tilespmem:s21+$0xFFFFFFD0];
	p1 =	slt.u32 s20, $0x1F8;
	[tilespmem:s18+$0xFFFFFFF0] =	vst v3  }
0xe4: {  	v3 =	vld [tilespmem:s21+$0xFFFFFFE0];
	[tilespmem:s18+$0x0] =	vst v0  }
0xe5: {  	v0 =	vld [tilespmem:s21+$0xFFFFFFF0];
	[tilespmem:s18+$0x10] =	vst v1  }
0xe6: {  	v1 =	vld [tilespmem:s21+$0x0];
	[tilespmem:s18+$0x20] =	vst v2  }
0xe7: {  	v2 =	vld [tilespmem:s21+$0x10];
	[tilespmem:s18+$0xFFFFFFC0] =	vst v4  }
0xe8: {  	v4 =	vld [tilespmem:s21+$0x20]  }
0xe9: {  	v7 =	vld [tilespmem:s21+$0xFFFFFFC0]  }
0xea: {  	v6 =	vld.idx.msk [tilespmem:v6+s10+$0x0], $0xffff  }
0xeb: {  	v8 =	vld.idx.msk [tilespmem:v5+s10+$0x0], $0xffff  }
0xec: {  	v5 =	vld.idx.msk [tilespmem:v3+s10+$0x0], $0xffff  }
.Ltmp5:
0xed: {  	v3 =	vld.idx.msk [tilespmem:v0+s10+$0x0], $0xffff;
	(pc) =	sbr.rel @p1 .LBB2_8-.Ltmp5, $4  }
0xee: {  	v0 =	vld.idx.msk [tilespmem:v1+s10+$0x0], $0xffff  }
0xef: {  	s18 =	sadd.s32 $0x80, s18;
	v1 =	vld.idx.msk [tilespmem:v2+s10+$0x0], $0xffff  }
0xf0: {  	v2 =	vld.idx.msk [tilespmem:v4+s10+$0x0], $0xffff;
	[tilespmem:s18+$0x30] =	vst v6  }
0xf1: {  	s21 =	sadd.s32 $0x80, s21;
	v4 =	vld.idx.msk [tilespmem:v7+s10+$0x0], $0xffff;
	[tilespmem:s18+$0xFFFFFFD0] =	vst v8  }
0xf2: {  	[tilespmem:s18+$0xFFFFFFE0] =	vst v5  }
0xf3: {  	[tilespmem:s18+$0xFFFFFFF0] =	vst v3  }
0xf4: {  	[tilespmem:s18+$0x0] =	vst v0  }
0xf5: {  	[tilespmem:s18+$0x10] =	vst v1  }
0xf6: {  	[tilespmem:s18+$0x20] =	vst v2  }
0xf7: {  	[tilespmem:s18+$0xFFFFFFC0] =	vst v4  }
0xf8: {  	[hbm4b:s23+s5] =	stream.strided.scatter [tilespmem:s13], [sflag:$0x4], $0x2000, s6, s5, $0x38;
	[tilespmem:$0x1E000] =	vst v63  }
0xf9: {  	_ =	swait.ge [sflag:s9], $0x8000  }
0xfa: {  	[sflag:s9] =	ssyncset.done $0x0  }
0xfb: {  	s21 =	rddreg [dreg:$0xd];
	[sflag:s9] =	ssyncadd.s32 $0xFFFF8000  }
0xfc: {  	[tilespmem:s10], [sflag:$0x2] =	stream.strided.gather [hbm4b:s21+s5], $0x8000, s6, s5, $0x38;
	[tilespmem:$0x1E000] =	vst v63  }
0xfd: {  	_ =	swait.ge [sflag:s14], $0x2000  }
0xfe: {  	[sflag:s14] =	ssyncset.done $0x0  }
0xff: {  	s22 =	simm.s32 $0x40;
	[sflag:s14] =	ssyncadd.s32 $0xFFFFE000  }
0x100: {  	v0 =	vld [tilespmem:s22+$0x30]  }
0x101: {  	v1 =	vld [tilespmem:s22+$0xFFFFFFD0]  }
0x102: {  	v2 =	vld [tilespmem:s22+$0xFFFFFFE0]  }
0x103: {  	v3 =	vld [tilespmem:s22+$0xFFFFFFF0]  }
0x104: {  	v4 =	vld [tilespmem:s22+$0x0]  }
0x105: {  	v6 =	vld [tilespmem:s22+$0x10]  }
0x106: {  	v7 =	vld [tilespmem:s22+$0x20]  }
0x107: {  	v8 =	vld [tilespmem:s22+$0xFFFFFFC0]  }
0x108: {  	v9 =	vld.idx.msk [tilespmem:v0+s8+$0x0], $0xffff  }
0x109: {  	v10 =	vld.idx.msk [tilespmem:v1+s8+$0x0], $0xffff  }
0x10a: {  	v5 =	vld.idx.msk [tilespmem:v2+s8+$0x0], $0xffff  }
0x10b: {  	v3 =	vld.idx.msk [tilespmem:v3+s8+$0x0], $0xffff  }
0x10c: {  	v0 =	vld.idx.msk [tilespmem:v4+s8+$0x0], $0xffff  }
0x10d: {  	s18 =	simm.s32 $0x1A040;
	v1 =	vld.idx.msk [tilespmem:v6+s8+$0x0], $0xffff  }
0x10e: {  	v2 =	vld.idx.msk [tilespmem:v7+s8+$0x0], $0xffff;
	[tilespmem:s18+$0x30] =	vst v9  }
0x10f: {  	s20 =	simm.s32 $0x0;
	s21 =	simm.s32 $0xC0;
	v4 =	vld.idx.msk [tilespmem:v8+s8+$0x0], $0xffff;
	[tilespmem:s18+$0xFFFFFFD0] =	vst v10  }
.LBB2_10:
0x110: {  	v6 =	vld [tilespmem:s21+$0x30];
	s20 =	sadd.s32 $0x8, s20;
	[tilespmem:s18+$0xFFFFFFE0] =	vst v5  }
0x111: {  	v5 =	vld [tilespmem:s21+$0xFFFFFFD0];
	p1 =	slt.u32 s20, $0x1F8;
	[tilespmem:s18+$0xFFFFFFF0] =	vst v3  }
0x112: {  	v3 =	vld [tilespmem:s21+$0xFFFFFFE0];
	[tilespmem:s18+$0x0] =	vst v0  }
0x113: {  	v0 =	vld [tilespmem:s21+$0xFFFFFFF0];
	[tilespmem:s18+$0x10] =	vst v1  }
0x114: {  	v1 =	vld [tilespmem:s21+$0x0];
	[tilespmem:s18+$0x20] =	vst v2  }
0x115: {  	v2 =	vld [tilespmem:s21+$0x10];
	[tilespmem:s18+$0xFFFFFFC0] =	vst v4  }
0x116: {  	v4 =	vld [tilespmem:s21+$0x20]  }
0x117: {  	v7 =	vld [tilespmem:s21+$0xFFFFFFC0]  }
0x118: {  	v6 =	vld.idx.msk [tilespmem:v6+s8+$0x0], $0xffff  }
0x119: {  	v8 =	vld.idx.msk [tilespmem:v5+s8+$0x0], $0xffff  }
0x11a: {  	v5 =	vld.idx.msk [tilespmem:v3+s8+$0x0], $0xffff  }
.Ltmp6:
0x11b: {  	v3 =	vld.idx.msk [tilespmem:v0+s8+$0x0], $0xffff;
	(pc) =	sbr.rel @p1 .LBB2_10-.Ltmp6, $4  }
0x11c: {  	v0 =	vld.idx.msk [tilespmem:v1+s8+$0x0], $0xffff  }
0x11d: {  	s18 =	sadd.s32 $0x80, s18;
	v1 =	vld.idx.msk [tilespmem:v2+s8+$0x0], $0xffff  }
0x11e: {  	v2 =	vld.idx.msk [tilespmem:v4+s8+$0x0], $0xffff;
	[tilespmem:s18+$0x30] =	vst v6  }
0x11f: {  	s21 =	sadd.s32 $0x80, s21;
	v4 =	vld.idx.msk [tilespmem:v7+s8+$0x0], $0xffff;
	[tilespmem:s18+$0xFFFFFFD0] =	vst v8  }
0x120: {  	[tilespmem:s18+$0xFFFFFFE0] =	vst v5  }
0x121: {  	[tilespmem:s18+$0xFFFFFFF0] =	vst v3  }
0x122: {  	[tilespmem:s18+$0x0] =	vst v0  }
0x123: {  	[tilespmem:s18+$0x10] =	vst v1  }
0x124: {  	[tilespmem:s18+$0x20] =	vst v2  }
0x125: {  	[tilespmem:s18+$0xFFFFFFC0] =	vst v4  }
0x126: {  	[hbm4b:s24+s5] =	stream.strided.scatter [tilespmem:s11], [sflag:$0x3], $0x2000, s6, s5, $0x38;
	[tilespmem:$0x1E000] =	vst v63  }
0x127: {  	_ =	swait.ge [sflag:s12], $0x8000  }
0x128: {  	[sflag:s12] =	ssyncset.done $0x0  }
0x129: {  	s21 =	rddreg [dreg:$0xe];
	[sflag:s12] =	ssyncadd.s32 $0xFFFF8000  }
0x12a: {  	[tilespmem:s8], [sflag:$0x1] =	stream.strided.gather [hbm4b:s21+s5], $0x8000, s6, s5, $0x38;
	[tilespmem:$0x1E000] =	vst v63  }
0x12b: {  	_ =	swait.ge [sflag:s15], $0x2000  }
0x12c: {  	[sflag:s15] =	ssyncset.done $0x0  }
0x12d: {  	s22 =	simm.s32 $0x40;
	[sflag:s15] =	ssyncadd.s32 $0xFFFFE000  }
0x12e: {  	v0 =	vld [tilespmem:s22+$0x30]  }
0x12f: {  	v1 =	vld [tilespmem:s22+$0xFFFFFFD0]  }
0x130: {  	v2 =	vld [tilespmem:s22+$0xFFFFFFE0]  }
0x131: {  	v3 =	vld [tilespmem:s22+$0xFFFFFFF0]  }
0x132: {  	v4 =	vld [tilespmem:s22+$0x0]  }
0x133: {  	v6 =	vld [tilespmem:s22+$0x10]  }
0x134: {  	v7 =	vld [tilespmem:s22+$0x20]  }
0x135: {  	v8 =	vld [tilespmem:s22+$0xFFFFFFC0]  }
0x136: {  	v9 =	vld.idx.msk [tilespmem:v0+s10+$0x0], $0xffff  }
0x137: {  	v10 =	vld.idx.msk [tilespmem:v1+s10+$0x0], $0xffff  }
0x138: {  	v5 =	vld.idx.msk [tilespmem:v2+s10+$0x0], $0xffff  }
0x139: {  	v3 =	vld.idx.msk [tilespmem:v3+s10+$0x0], $0xffff  }
0x13a: {  	v0 =	vld.idx.msk [tilespmem:v4+s10+$0x0], $0xffff  }
0x13b: {  	s18 =	simm.s32 $0x1C040;
	v1 =	vld.idx.msk [tilespmem:v6+s10+$0x0], $0xffff  }
0x13c: {  	v2 =	vld.idx.msk [tilespmem:v7+s10+$0x0], $0xffff;
	[tilespmem:s18+$0x30] =	vst v9  }
0x13d: {  	s20 =	simm.s32 $0x0;
	s21 =	simm.s32 $0xC0;
	v4 =	vld.idx.msk [tilespmem:v8+s10+$0x0], $0xffff;
	[tilespmem:s18+$0xFFFFFFD0] =	vst v10  }
.LBB2_12:
0x13e: {  	v6 =	vld [tilespmem:s21+$0x30];
	s20 =	sadd.s32 $0x8, s20;
	[tilespmem:s18+$0xFFFFFFE0] =	vst v5  }
0x13f: {  	v5 =	vld [tilespmem:s21+$0xFFFFFFD0];
	p1 =	slt.u32 s20, $0x1F8;
	[tilespmem:s18+$0xFFFFFFF0] =	vst v3  }
0x140: {  	v3 =	vld [tilespmem:s21+$0xFFFFFFE0];
	[tilespmem:s18+$0x0] =	vst v0  }
0x141: {  	v0 =	vld [tilespmem:s21+$0xFFFFFFF0];
	[tilespmem:s18+$0x10] =	vst v1  }
0x142: {  	v1 =	vld [tilespmem:s21+$0x0];
	[tilespmem:s18+$0x20] =	vst v2  }
0x143: {  	v2 =	vld [tilespmem:s21+$0x10];
	[tilespmem:s18+$0xFFFFFFC0] =	vst v4  }
0x144: {  	v4 =	vld [tilespmem:s21+$0x20]  }
0x145: {  	v7 =	vld [tilespmem:s21+$0xFFFFFFC0]  }
0x146: {  	v6 =	vld.idx.msk [tilespmem:v6+s10+$0x0], $0xffff  }
0x147: {  	v8 =	vld.idx.msk [tilespmem:v5+s10+$0x0], $0xffff  }
0x148: {  	v5 =	vld.idx.msk [tilespmem:v3+s10+$0x0], $0xffff  }
.Ltmp7:
0x149: {  	v3 =	vld.idx.msk [tilespmem:v0+s10+$0x0], $0xffff;
	(pc) =	sbr.rel @p1 .LBB2_12-.Ltmp7, $4  }
0x14a: {  	v0 =	vld.idx.msk [tilespmem:v1+s10+$0x0], $0xffff  }
0x14b: {  	s18 =	sadd.s32 $0x80, s18;
	v1 =	vld.idx.msk [tilespmem:v2+s10+$0x0], $0xffff  }
0x14c: {  	v2 =	vld.idx.msk [tilespmem:v4+s10+$0x0], $0xffff;
	[tilespmem:s18+$0x30] =	vst v6  }
0x14d: {  	s21 =	sadd.s32 $0x80, s21;
	v4 =	vld.idx.msk [tilespmem:v7+s10+$0x0], $0xffff;
	[tilespmem:s18+$0xFFFFFFD0] =	vst v8  }
0x14e: {  	[tilespmem:s18+$0xFFFFFFE0] =	vst v5  }
0x14f: {  	[tilespmem:s18+$0xFFFFFFF0] =	vst v3  }
0x150: {  	[tilespmem:s18+$0x0] =	vst v0  }
0x151: {  	[tilespmem:s18+$0x10] =	vst v1  }
0x152: {  	[tilespmem:s18+$0x20] =	vst v2  }
0x153: {  	[tilespmem:s18+$0xFFFFFFC0] =	vst v4  }
0x154: {  	[hbm4b:s25+s5] =	stream.strided.scatter [tilespmem:s13], [sflag:$0x4], $0x2000, s6, s5, $0x38;
	[tilespmem:$0x1E000] =	vst v63  }
0x155: {  	_ =	swait.ge [sflag:s9], $0x8000  }
0x156: {  	[sflag:s9] =	ssyncset.done $0x0  }
0x157: {  	s21 =	rddreg [dreg:$0xf];
	[sflag:s9] =	ssyncadd.s32 $0xFFFF8000  }
0x158: {  	[tilespmem:s10], [sflag:$0x2] =	stream.strided.gather [hbm4b:s21+s5], $0x8000, s6, s5, $0x38;
	[tilespmem:$0x1E000] =	vst v63  }
0x159: {  	_ =	swait.ge [sflag:s14], $0x2000  }
0x15a: {  	[sflag:s14] =	ssyncset.done $0x0  }
0x15b: {  	s22 =	simm.s32 $0x40;
	[sflag:s14] =	ssyncadd.s32 $0xFFFFE000  }
0x15c: {  	v0 =	vld [tilespmem:s22+$0x30]  }
0x15d: {  	v1 =	vld [tilespmem:s22+$0xFFFFFFD0]  }
0x15e: {  	v2 =	vld [tilespmem:s22+$0xFFFFFFE0]  }
0x15f: {  	v3 =	vld [tilespmem:s22+$0xFFFFFFF0]  }
0x160: {  	v4 =	vld [tilespmem:s22+$0x0]  }
0x161: {  	v6 =	vld [tilespmem:s22+$0x10]  }
0x162: {  	v7 =	vld [tilespmem:s22+$0x20]  }
0x163: {  	v8 =	vld [tilespmem:s22+$0xFFFFFFC0]  }
0x164: {  	v9 =	vld.idx.msk [tilespmem:v0+s8+$0x0], $0xffff  }
0x165: {  	v10 =	vld.idx.msk [tilespmem:v1+s8+$0x0], $0xffff  }
0x166: {  	v5 =	vld.idx.msk [tilespmem:v2+s8+$0x0], $0xffff  }
0x167: {  	v3 =	vld.idx.msk [tilespmem:v3+s8+$0x0], $0xffff  }
0x168: {  	v0 =	vld.idx.msk [tilespmem:v4+s8+$0x0], $0xffff  }
0x169: {  	s18 =	simm.s32 $0x1A040;
	v1 =	vld.idx.msk [tilespmem:v6+s8+$0x0], $0xffff  }
0x16a: {  	v2 =	vld.idx.msk [tilespmem:v7+s8+$0x0], $0xffff;
	[tilespmem:s18+$0x30] =	vst v9  }
0x16b: {  	s20 =	simm.s32 $0x0;
	s21 =	simm.s32 $0xC0;
	v4 =	vld.idx.msk [tilespmem:v8+s8+$0x0], $0xffff;
	[tilespmem:s18+$0xFFFFFFD0] =	vst v10  }
.LBB2_14:
0x16c: {  	v6 =	vld [tilespmem:s21+$0x30];
	s20 =	sadd.s32 $0x8, s20;
	[tilespmem:s18+$0xFFFFFFE0] =	vst v5  }
0x16d: {  	v5 =	vld [tilespmem:s21+$0xFFFFFFD0];
	p1 =	slt.u32 s20, $0x1F8;
	[tilespmem:s18+$0xFFFFFFF0] =	vst v3  }
0x16e: {  	v3 =	vld [tilespmem:s21+$0xFFFFFFE0];
	[tilespmem:s18+$0x0] =	vst v0  }
0x16f: {  	v0 =	vld [tilespmem:s21+$0xFFFFFFF0];
	[tilespmem:s18+$0x10] =	vst v1  }
0x170: {  	v1 =	vld [tilespmem:s21+$0x0];
	[tilespmem:s18+$0x20] =	vst v2  }
0x171: {  	v2 =	vld [tilespmem:s21+$0x10];
	[tilespmem:s18+$0xFFFFFFC0] =	vst v4  }
0x172: {  	v4 =	vld [tilespmem:s21+$0x20]  }
0x173: {  	v7 =	vld [tilespmem:s21+$0xFFFFFFC0]  }
0x174: {  	v6 =	vld.idx.msk [tilespmem:v6+s8+$0x0], $0xffff  }
0x175: {  	v8 =	vld.idx.msk [tilespmem:v5+s8+$0x0], $0xffff  }
0x176: {  	v5 =	vld.idx.msk [tilespmem:v3+s8+$0x0], $0xffff  }
.Ltmp8:
0x177: {  	v3 =	vld.idx.msk [tilespmem:v0+s8+$0x0], $0xffff;
	(pc) =	sbr.rel @p1 .LBB2_14-.Ltmp8, $4  }
0x178: {  	v0 =	vld.idx.msk [tilespmem:v1+s8+$0x0], $0xffff  }
0x179: {  	s18 =	sadd.s32 $0x80, s18;
	v1 =	vld.idx.msk [tilespmem:v2+s8+$0x0], $0xffff  }
0x17a: {  	v2 =	vld.idx.msk [tilespmem:v4+s8+$0x0], $0xffff;
	[tilespmem:s18+$0x30] =	vst v6  }
0x17b: {  	s21 =	sadd.s32 $0x80, s21;
	v4 =	vld.idx.msk [tilespmem:v7+s8+$0x0], $0xffff;
	[tilespmem:s18+$0xFFFFFFD0] =	vst v8  }
0x17c: {  	[tilespmem:s18+$0xFFFFFFE0] =	vst v5  }
0x17d: {  	[tilespmem:s18+$0xFFFFFFF0] =	vst v3  }
0x17e: {  	[tilespmem:s18+$0x0] =	vst v0  }
0x17f: {  	[tilespmem:s18+$0x10] =	vst v1  }
0x180: {  	[tilespmem:s18+$0x20] =	vst v2  }
0x181: {  	[tilespmem:s18+$0xFFFFFFC0] =	vst v4  }
0x182: {  	[hbm4b:s26+s5] =	stream.strided.scatter [tilespmem:s11], [sflag:$0x3], $0x2000, s6, s5, $0x38;
	[tilespmem:$0x1E000] =	vst v63  }
0x183: {  	_ =	swait.ge [sflag:s12], $0x8000  }
0x184: {  	[sflag:s12] =	ssyncset.done $0x0  }
0x185: {  	s21 =	rddreg [dreg:$0x10];
	[sflag:s12] =	ssyncadd.s32 $0xFFFF8000  }
0x186: {  	[tilespmem:s8], [sflag:$0x1] =	stream.strided.gather [hbm4b:s21+s5], $0x8000, s6, s5, $0x38;
	[tilespmem:$0x1E000] =	vst v63  }
0x187: {  	_ =	swait.ge [sflag:s15], $0x2000  }
0x188: {  	[sflag:s15] =	ssyncset.done $0x0  }
0x189: {  	s22 =	simm.s32 $0x40;
	[sflag:s15] =	ssyncadd.s32 $0xFFFFE000  }
0x18a: {  	v0 =	vld [tilespmem:s22+$0x30]  }
0x18b: {  	v1 =	vld [tilespmem:s22+$0xFFFFFFD0]  }
0x18c: {  	v2 =	vld [tilespmem:s22+$0xFFFFFFE0]  }
0x18d: {  	v3 =	vld [tilespmem:s22+$0xFFFFFFF0]  }
0x18e: {  	v4 =	vld [tilespmem:s22+$0x0]  }
0x18f: {  	v6 =	vld [tilespmem:s22+$0x10]  }
0x190: {  	v7 =	vld [tilespmem:s22+$0x20]  }
0x191: {  	v8 =	vld [tilespmem:s22+$0xFFFFFFC0]  }
0x192: {  	v9 =	vld.idx.msk [tilespmem:v0+s10+$0x0], $0xffff  }
0x193: {  	v10 =	vld.idx.msk [tilespmem:v1+s10+$0x0], $0xffff  }
0x194: {  	v5 =	vld.idx.msk [tilespmem:v2+s10+$0x0], $0xffff  }
0x195: {  	v3 =	vld.idx.msk [tilespmem:v3+s10+$0x0], $0xffff  }
0x196: {  	v0 =	vld.idx.msk [tilespmem:v4+s10+$0x0], $0xffff  }
0x197: {  	s18 =	simm.s32 $0x1C040;
	v1 =	vld.idx.msk [tilespmem:v6+s10+$0x0], $0xffff  }
0x198: {  	v2 =	vld.idx.msk [tilespmem:v7+s10+$0x0], $0xffff;
	[tilespmem:s18+$0x30] =	vst v9  }
0x199: {  	s20 =	simm.s32 $0x0;
	s21 =	simm.s32 $0xC0;
	v4 =	vld.idx.msk [tilespmem:v8+s10+$0x0], $0xffff;
	[tilespmem:s18+$0xFFFFFFD0] =	vst v10  }
.LBB2_16:
0x19a: {  	v6 =	vld [tilespmem:s21+$0x30];
	s20 =	sadd.s32 $0x8, s20;
	[tilespmem:s18+$0xFFFFFFE0] =	vst v5  }
0x19b: {  	v5 =	vld [tilespmem:s21+$0xFFFFFFD0];
	p1 =	slt.u32 s20, $0x1F8;
	[tilespmem:s18+$0xFFFFFFF0] =	vst v3  }
0x19c: {  	v3 =	vld [tilespmem:s21+$0xFFFFFFE0];
	[tilespmem:s18+$0x0] =	vst v0  }
0x19d: {  	v0 =	vld [tilespmem:s21+$0xFFFFFFF0];
	[tilespmem:s18+$0x10] =	vst v1  }
0x19e: {  	v1 =	vld [tilespmem:s21+$0x0];
	[tilespmem:s18+$0x20] =	vst v2  }
0x19f: {  	v2 =	vld [tilespmem:s21+$0x10];
	[tilespmem:s18+$0xFFFFFFC0] =	vst v4  }
0x1a0: {  	v4 =	vld [tilespmem:s21+$0x20]  }
0x1a1: {  	v7 =	vld [tilespmem:s21+$0xFFFFFFC0]  }
0x1a2: {  	v6 =	vld.idx.msk [tilespmem:v6+s10+$0x0], $0xffff  }
0x1a3: {  	v8 =	vld.idx.msk [tilespmem:v5+s10+$0x0], $0xffff  }
0x1a4: {  	v5 =	vld.idx.msk [tilespmem:v3+s10+$0x0], $0xffff  }
.Ltmp9:
0x1a5: {  	v3 =	vld.idx.msk [tilespmem:v0+s10+$0x0], $0xffff;
	(pc) =	sbr.rel @p1 .LBB2_16-.Ltmp9, $4  }
0x1a6: {  	v0 =	vld.idx.msk [tilespmem:v1+s10+$0x0], $0xffff  }
0x1a7: {  	s18 =	sadd.s32 $0x80, s18;
	v1 =	vld.idx.msk [tilespmem:v2+s10+$0x0], $0xffff  }
0x1a8: {  	v2 =	vld.idx.msk [tilespmem:v4+s10+$0x0], $0xffff;
	[tilespmem:s18+$0x30] =	vst v6  }
0x1a9: {  	s21 =	sadd.s32 $0x80, s21;
	v4 =	vld.idx.msk [tilespmem:v7+s10+$0x0], $0xffff;
	[tilespmem:s18+$0xFFFFFFD0] =	vst v8  }
0x1aa: {  	[tilespmem:s18+$0xFFFFFFE0] =	vst v5  }
0x1ab: {  	[tilespmem:s18+$0xFFFFFFF0] =	vst v3  }
0x1ac: {  	[tilespmem:s18+$0x0] =	vst v0  }
0x1ad: {  	[tilespmem:s18+$0x10] =	vst v1  }
0x1ae: {  	[tilespmem:s18+$0x20] =	vst v2  }
0x1af: {  	[tilespmem:s18+$0xFFFFFFC0] =	vst v4  }
0x1b0: {  	[hbm4b:s28+s5] =	stream.strided.scatter [tilespmem:s13], [sflag:$0x4], $0x2000, s6, s5, $0x38;
	[tilespmem:$0x1E000] =	vst v63  }
0x1b1: {  	_ =	swait.ge [sflag:s9], $0x8000  }
0x1b2: {  	[sflag:s9] =	ssyncset.done $0x0  }
0x1b3: {  	s21 =	rddreg [dreg:$0x11];
	[sflag:s9] =	ssyncadd.s32 $0xFFFF8000  }
0x1b4: {  	[tilespmem:s10], [sflag:$0x2] =	stream.strided.gather [hbm4b:s21+s5], $0x8000, s6, s5, $0x38;
	[tilespmem:$0x1E000] =	vst v63  }
0x1b5: {  	_ =	swait.ge [sflag:s14], $0x2000  }
0x1b6: {  	[sflag:s14] =	ssyncset.done $0x0  }
0x1b7: {  	s22 =	simm.s32 $0x40;
	[sflag:s14] =	ssyncadd.s32 $0xFFFFE000  }
0x1b8: {  	v0 =	vld [tilespmem:s22+$0x30]  }
0x1b9: {  	v1 =	vld [tilespmem:s22+$0xFFFFFFD0]  }
0x1ba: {  	v2 =	vld [tilespmem:s22+$0xFFFFFFE0]  }
0x1bb: {  	v3 =	vld [tilespmem:s22+$0xFFFFFFF0]  }
0x1bc: {  	v4 =	vld [tilespmem:s22+$0x0]  }
0x1bd: {  	v6 =	vld [tilespmem:s22+$0x10]  }
0x1be: {  	v7 =	vld [tilespmem:s22+$0x20]  }
0x1bf: {  	v8 =	vld [tilespmem:s22+$0xFFFFFFC0]  }
0x1c0: {  	v9 =	vld.idx.msk [tilespmem:v0+s8+$0x0], $0xffff  }
0x1c1: {  	v10 =	vld.idx.msk [tilespmem:v1+s8+$0x0], $0xffff  }
0x1c2: {  	v5 =	vld.idx.msk [tilespmem:v2+s8+$0x0], $0xffff  }
0x1c3: {  	v3 =	vld.idx.msk [tilespmem:v3+s8+$0x0], $0xffff  }
0x1c4: {  	v0 =	vld.idx.msk [tilespmem:v4+s8+$0x0], $0xffff  }
0x1c5: {  	s18 =	simm.s32 $0x1A040;
	v1 =	vld.idx.msk [tilespmem:v6+s8+$0x0], $0xffff  }
0x1c6: {  	v2 =	vld.idx.msk [tilespmem:v7+s8+$0x0], $0xffff;
	[tilespmem:s18+$0x30] =	vst v9  }
0x1c7: {  	s20 =	simm.s32 $0x0;
	s21 =	simm.s32 $0xC0;
	v4 =	vld.idx.msk [tilespmem:v8+s8+$0x0], $0xffff;
	[tilespmem:s18+$0xFFFFFFD0] =	vst v10  }
.LBB2_18:
0x1c8: {  	v6 =	vld [tilespmem:s21+$0x30];
	s20 =	sadd.s32 $0x8, s20;
	[tilespmem:s18+$0xFFFFFFE0] =	vst v5  }
0x1c9: {  	v5 =	vld [tilespmem:s21+$0xFFFFFFD0];
	p1 =	slt.u32 s20, $0x1F8;
	[tilespmem:s18+$0xFFFFFFF0] =	vst v3  }
0x1ca: {  	v3 =	vld [tilespmem:s21+$0xFFFFFFE0];
	[tilespmem:s18+$0x0] =	vst v0  }
0x1cb: {  	v0 =	vld [tilespmem:s21+$0xFFFFFFF0];
	[tilespmem:s18+$0x10] =	vst v1  }
0x1cc: {  	v1 =	vld [tilespmem:s21+$0x0];
	[tilespmem:s18+$0x20] =	vst v2  }
0x1cd: {  	v2 =	vld [tilespmem:s21+$0x10];
	[tilespmem:s18+$0xFFFFFFC0] =	vst v4  }
0x1ce: {  	v4 =	vld [tilespmem:s21+$0x20]  }
0x1cf: {  	v7 =	vld [tilespmem:s21+$0xFFFFFFC0]  }
0x1d0: {  	v6 =	vld.idx.msk [tilespmem:v6+s8+$0x0], $0xffff  }
0x1d1: {  	v8 =	vld.idx.msk [tilespmem:v5+s8+$0x0], $0xffff  }
0x1d2: {  	v5 =	vld.idx.msk [tilespmem:v3+s8+$0x0], $0xffff  }
.Ltmp10:
0x1d3: {  	v3 =	vld.idx.msk [tilespmem:v0+s8+$0x0], $0xffff;
	(pc) =	sbr.rel @p1 .LBB2_18-.Ltmp10, $4  }
0x1d4: {  	v0 =	vld.idx.msk [tilespmem:v1+s8+$0x0], $0xffff  }
0x1d5: {  	s18 =	sadd.s32 $0x80, s18;
	v1 =	vld.idx.msk [tilespmem:v2+s8+$0x0], $0xffff  }
0x1d6: {  	v2 =	vld.idx.msk [tilespmem:v4+s8+$0x0], $0xffff;
	[tilespmem:s18+$0x30] =	vst v6  }
0x1d7: {  	s21 =	sadd.s32 $0x80, s21;
	v4 =	vld.idx.msk [tilespmem:v7+s8+$0x0], $0xffff;
	[tilespmem:s18+$0xFFFFFFD0] =	vst v8  }
0x1d8: {  	[tilespmem:s18+$0xFFFFFFE0] =	vst v5  }
0x1d9: {  	[tilespmem:s18+$0xFFFFFFF0] =	vst v3  }
0x1da: {  	[tilespmem:s18+$0x0] =	vst v0  }
0x1db: {  	[tilespmem:s18+$0x10] =	vst v1  }
0x1dc: {  	[tilespmem:s18+$0x20] =	vst v2  }
0x1dd: {  	[tilespmem:s18+$0xFFFFFFC0] =	vst v4  }
0x1de: {  	[hbm4b:s29+s5] =	stream.strided.scatter [tilespmem:s11], [sflag:$0x3], $0x2000, s6, s5, $0x38;
	[tilespmem:$0x1E000] =	vst v63  }
0x1df: {  	_ =	swait.ge [sflag:s12], $0x8000  }
0x1e0: {  	[sflag:s12] =	ssyncset.done $0x0  }
0x1e1: {  	s21 =	rddreg [dreg:$0x12];
	[sflag:s12] =	ssyncadd.s32 $0xFFFF8000  }
0x1e2: {  	[tilespmem:s8], [sflag:$0x1] =	stream.strided.gather [hbm4b:s21+s5], $0x8000, s6, s5, $0x38;
	[tilespmem:$0x1E000] =	vst v63  }
0x1e3: {  	_ =	swait.ge [sflag:s15], $0x2000  }
0x1e4: {  	[sflag:s15] =	ssyncset.done $0x0  }
0x1e5: {  	s22 =	simm.s32 $0x40;
	[sflag:s15] =	ssyncadd.s32 $0xFFFFE000  }
0x1e6: {  	v0 =	vld [tilespmem:s22+$0x30]  }
0x1e7: {  	v1 =	vld [tilespmem:s22+$0xFFFFFFD0]  }
0x1e8: {  	v2 =	vld [tilespmem:s22+$0xFFFFFFE0]  }
0x1e9: {  	v3 =	vld [tilespmem:s22+$0xFFFFFFF0]  }
0x1ea: {  	v4 =	vld [tilespmem:s22+$0x0]  }
0x1eb: {  	v6 =	vld [tilespmem:s22+$0x10]  }
0x1ec: {  	v7 =	vld [tilespmem:s22+$0x20]  }
0x1ed: {  	v8 =	vld [tilespmem:s22+$0xFFFFFFC0]  }
0x1ee: {  	v9 =	vld.idx.msk [tilespmem:v0+s10+$0x0], $0xffff  }
0x1ef: {  	v10 =	vld.idx.msk [tilespmem:v1+s10+$0x0], $0xffff  }
0x1f0: {  	v5 =	vld.idx.msk [tilespmem:v2+s10+$0x0], $0xffff  }
0x1f1: {  	v3 =	vld.idx.msk [tilespmem:v3+s10+$0x0], $0xffff  }
0x1f2: {  	v0 =	vld.idx.msk [tilespmem:v4+s10+$0x0], $0xffff  }
0x1f3: {  	s18 =	simm.s32 $0x1C040;
	v1 =	vld.idx.msk [tilespmem:v6+s10+$0x0], $0xffff  }
0x1f4: {  	v2 =	vld.idx.msk [tilespmem:v7+s10+$0x0], $0xffff;
	[tilespmem:s18+$0x30] =	vst v9  }
0x1f5: {  	s20 =	simm.s32 $0x0;
	s21 =	simm.s32 $0xC0;
	v4 =	vld.idx.msk [tilespmem:v8+s10+$0x0], $0xffff;
	[tilespmem:s18+$0xFFFFFFD0] =	vst v10  }
.LBB2_20:
0x1f6: {  	v6 =	vld [tilespmem:s21+$0x30];
	s20 =	sadd.s32 $0x8, s20;
	[tilespmem:s18+$0xFFFFFFE0] =	vst v5  }
0x1f7: {  	v5 =	vld [tilespmem:s21+$0xFFFFFFD0];
	p1 =	slt.u32 s20, $0x1F8;
	[tilespmem:s18+$0xFFFFFFF0] =	vst v3  }
0x1f8: {  	v3 =	vld [tilespmem:s21+$0xFFFFFFE0];
	[tilespmem:s18+$0x0] =	vst v0  }
0x1f9: {  	v0 =	vld [tilespmem:s21+$0xFFFFFFF0];
	[tilespmem:s18+$0x10] =	vst v1  }
0x1fa: {  	v1 =	vld [tilespmem:s21+$0x0];
	[tilespmem:s18+$0x20] =	vst v2  }
0x1fb: {  	v2 =	vld [tilespmem:s21+$0x10];
	[tilespmem:s18+$0xFFFFFFC0] =	vst v4  }
0x1fc: {  	v4 =	vld [tilespmem:s21+$0x20]  }
0x1fd: {  	v7 =	vld [tilespmem:s21+$0xFFFFFFC0]  }
0x1fe: {  	v6 =	vld.idx.msk [tilespmem:v6+s10+$0x0], $0xffff  }
0x1ff: {  	v8 =	vld.idx.msk [tilespmem:v5+s10+$0x0], $0xffff  }
0x200: {  	v5 =	vld.idx.msk [tilespmem:v3+s10+$0x0], $0xffff  }
.Ltmp11:
0x201: {  	v3 =	vld.idx.msk [tilespmem:v0+s10+$0x0], $0xffff;
	(pc) =	sbr.rel @p1 .LBB2_20-.Ltmp11, $4  }
0x202: {  	v0 =	vld.idx.msk [tilespmem:v1+s10+$0x0], $0xffff  }
0x203: {  	s18 =	sadd.s32 $0x80, s18;
	v1 =	vld.idx.msk [tilespmem:v2+s10+$0x0], $0xffff  }
0x204: {  	v2 =	vld.idx.msk [tilespmem:v4+s10+$0x0], $0xffff;
	[tilespmem:s18+$0x30] =	vst v6  }
0x205: {  	s21 =	sadd.s32 $0x80, s21;
	v4 =	vld.idx.msk [tilespmem:v7+s10+$0x0], $0xffff;
	[tilespmem:s18+$0xFFFFFFD0] =	vst v8  }
0x206: {  	[tilespmem:s18+$0xFFFFFFE0] =	vst v5  }
0x207: {  	[tilespmem:s18+$0xFFFFFFF0] =	vst v3  }
0x208: {  	[tilespmem:s18+$0x0] =	vst v0  }
0x209: {  	[tilespmem:s18+$0x10] =	vst v1  }
0x20a: {  	[tilespmem:s18+$0x20] =	vst v2  }
0x20b: {  	[tilespmem:s18+$0xFFFFFFC0] =	vst v4  }
0x20c: {  	[hbm4b:s30+s5] =	stream.strided.scatter [tilespmem:s13], [sflag:$0x4], $0x2000, s6, s5, $0x38;
	[tilespmem:$0x1E000] =	vst v63  }
0x20d: {  	_ =	swait.ge [sflag:s9], $0x8000  }
0x20e: {  	[sflag:s9] =	ssyncset.done $0x0  }
0x20f: {  	s21 =	rddreg [dreg:$0x13];
	[sflag:s9] =	ssyncadd.s32 $0xFFFF8000  }
0x210: {  	[tilespmem:s10], [sflag:$0x2] =	stream.strided.gather [hbm4b:s21+s5], $0x8000, s6, s5, $0x38;
	[tilespmem:$0x1E000] =	vst v63  }
0x211: {  	_ =	swait.ge [sflag:s14], $0x2000  }
0x212: {  	[sflag:s14] =	ssyncset.done $0x0  }
0x213: {  	s22 =	simm.s32 $0x40;
	[sflag:s14] =	ssyncadd.s32 $0xFFFFE000  }
0x214: {  	v0 =	vld [tilespmem:s22+$0x30]  }
0x215: {  	v1 =	vld [tilespmem:s22+$0xFFFFFFD0]  }
0x216: {  	v2 =	vld [tilespmem:s22+$0xFFFFFFE0]  }
0x217: {  	v3 =	vld [tilespmem:s22+$0xFFFFFFF0]  }
0x218: {  	v4 =	vld [tilespmem:s22+$0x0]  }
0x219: {  	v6 =	vld [tilespmem:s22+$0x10]  }
0x21a: {  	v7 =	vld [tilespmem:s22+$0x20]  }
0x21b: {  	v8 =	vld [tilespmem:s22+$0xFFFFFFC0]  }
0x21c: {  	v9 =	vld.idx.msk [tilespmem:v0+s8+$0x0], $0xffff  }
0x21d: {  	v10 =	vld.idx.msk [tilespmem:v1+s8+$0x0], $0xffff  }
0x21e: {  	v5 =	vld.idx.msk [tilespmem:v2+s8+$0x0], $0xffff  }
0x21f: {  	v3 =	vld.idx.msk [tilespmem:v3+s8+$0x0], $0xffff  }
0x220: {  	v0 =	vld.idx.msk [tilespmem:v4+s8+$0x0], $0xffff  }
0x221: {  	s18 =	simm.s32 $0x1A040;
	v1 =	vld.idx.msk [tilespmem:v6+s8+$0x0], $0xffff  }
0x222: {  	v2 =	vld.idx.msk [tilespmem:v7+s8+$0x0], $0xffff;
	[tilespmem:s18+$0x30] =	vst v9  }
0x223: {  	s20 =	simm.s32 $0x0;
	s21 =	simm.s32 $0xC0;
	v4 =	vld.idx.msk [tilespmem:v8+s8+$0x0], $0xffff;
	[tilespmem:s18+$0xFFFFFFD0] =	vst v10  }
.LBB2_22:
0x224: {  	v6 =	vld [tilespmem:s21+$0x30];
	s20 =	sadd.s32 $0x8, s20;
	[tilespmem:s18+$0xFFFFFFE0] =	vst v5  }
0x225: {  	v5 =	vld [tilespmem:s21+$0xFFFFFFD0];
	p1 =	slt.u32 s20, $0x1F8;
	[tilespmem:s18+$0xFFFFFFF0] =	vst v3  }
0x226: {  	v3 =	vld [tilespmem:s21+$0xFFFFFFE0];
	[tilespmem:s18+$0x0] =	vst v0  }
0x227: {  	v0 =	vld [tilespmem:s21+$0xFFFFFFF0];
	[tilespmem:s18+$0x10] =	vst v1  }
0x228: {  	v1 =	vld [tilespmem:s21+$0x0];
	[tilespmem:s18+$0x20] =	vst v2  }
0x229: {  	v2 =	vld [tilespmem:s21+$0x10];
	[tilespmem:s18+$0xFFFFFFC0] =	vst v4  }
0x22a: {  	v4 =	vld [tilespmem:s21+$0x20]  }
0x22b: {  	v7 =	vld [tilespmem:s21+$0xFFFFFFC0]  }
0x22c: {  	v6 =	vld.idx.msk [tilespmem:v6+s8+$0x0], $0xffff  }
0x22d: {  	v8 =	vld.idx.msk [tilespmem:v5+s8+$0x0], $0xffff  }
0x22e: {  	v5 =	vld.idx.msk [tilespmem:v3+s8+$0x0], $0xffff  }
.Ltmp12:
0x22f: {  	v3 =	vld.idx.msk [tilespmem:v0+s8+$0x0], $0xffff;
	(pc) =	sbr.rel @p1 .LBB2_22-.Ltmp12, $4  }
0x230: {  	v0 =	vld.idx.msk [tilespmem:v1+s8+$0x0], $0xffff  }
0x231: {  	s18 =	sadd.s32 $0x80, s18;
	v1 =	vld.idx.msk [tilespmem:v2+s8+$0x0], $0xffff  }
0x232: {  	v2 =	vld.idx.msk [tilespmem:v4+s8+$0x0], $0xffff;
	[tilespmem:s18+$0x30] =	vst v6  }
0x233: {  	s21 =	sadd.s32 $0x80, s21;
	v4 =	vld.idx.msk [tilespmem:v7+s8+$0x0], $0xffff;
	[tilespmem:s18+$0xFFFFFFD0] =	vst v8  }
0x234: {  	[tilespmem:s18+$0xFFFFFFE0] =	vst v5  }
0x235: {  	[tilespmem:s18+$0xFFFFFFF0] =	vst v3  }
0x236: {  	[tilespmem:s18+$0x0] =	vst v0  }
0x237: {  	[tilespmem:s18+$0x10] =	vst v1  }
0x238: {  	[tilespmem:s18+$0x20] =	vst v2  }
0x239: {  	[tilespmem:s18+$0xFFFFFFC0] =	vst v4  }
0x23a: {  	[hbm4b:s31+s5] =	stream.strided.scatter [tilespmem:s11], [sflag:$0x3], $0x2000, s6, s5, $0x38;
	[tilespmem:$0x1E000] =	vst v63  }
0x23b: {  	_ =	swait.ge [sflag:s12], $0x8000  }
0x23c: {  	[sflag:s12] =	ssyncset.done $0x0  }
0x23d: {  	s21 =	rddreg [dreg:$0x14];
	[sflag:s12] =	ssyncadd.s32 $0xFFFF8000  }
0x23e: {  	[tilespmem:s8], [sflag:$0x1] =	stream.strided.gather [hbm4b:s21+s5], $0x8000, s6, s5, $0x38;
	[tilespmem:$0x1E000] =	vst v63  }
0x23f: {  	_ =	swait.ge [sflag:s15], $0x2000  }
0x240: {  	[sflag:s15] =	ssyncset.done $0x0  }
0x241: {  	s22 =	simm.s32 $0x40;
	[sflag:s15] =	ssyncadd.s32 $0xFFFFE000  }
0x242: {  	v0 =	vld [tilespmem:s22+$0x30]  }
0x243: {  	v1 =	vld [tilespmem:s22+$0xFFFFFFD0]  }
0x244: {  	v2 =	vld [tilespmem:s22+$0xFFFFFFE0]  }
0x245: {  	v3 =	vld [tilespmem:s22+$0xFFFFFFF0]  }
0x246: {  	v4 =	vld [tilespmem:s22+$0x0]  }
0x247: {  	v6 =	vld [tilespmem:s22+$0x10]  }
0x248: {  	v7 =	vld [tilespmem:s22+$0x20]  }
0x249: {  	v8 =	vld [tilespmem:s22+$0xFFFFFFC0]  }
0x24a: {  	v9 =	vld.idx.msk [tilespmem:v0+s10+$0x0], $0xffff  }
0x24b: {  	v10 =	vld.idx.msk [tilespmem:v1+s10+$0x0], $0xffff  }
0x24c: {  	v5 =	vld.idx.msk [tilespmem:v2+s10+$0x0], $0xffff  }
0x24d: {  	v3 =	vld.idx.msk [tilespmem:v3+s10+$0x0], $0xffff  }
0x24e: {  	v0 =	vld.idx.msk [tilespmem:v4+s10+$0x0], $0xffff  }
0x24f: {  	s18 =	simm.s32 $0x1C040;
	v1 =	vld.idx.msk [tilespmem:v6+s10+$0x0], $0xffff  }
0x250: {  	v2 =	vld.idx.msk [tilespmem:v7+s10+$0x0], $0xffff;
	[tilespmem:s18+$0x30] =	vst v9  }
0x251: {  	s20 =	simm.s32 $0x0;
	s21 =	simm.s32 $0xC0;
	v4 =	vld.idx.msk [tilespmem:v8+s10+$0x0], $0xffff;
	[tilespmem:s18+$0xFFFFFFD0] =	vst v10  }
.LBB2_24:
0x252: {  	v6 =	vld [tilespmem:s21+$0x30];
	s20 =	sadd.s32 $0x8, s20;
	[tilespmem:s18+$0xFFFFFFE0] =	vst v5  }
0x253: {  	v5 =	vld [tilespmem:s21+$0xFFFFFFD0];
	p1 =	slt.u32 s20, $0x1F8;
	[tilespmem:s18+$0xFFFFFFF0] =	vst v3  }
0x254: {  	v3 =	vld [tilespmem:s21+$0xFFFFFFE0];
	[tilespmem:s18+$0x0] =	vst v0  }
0x255: {  	v0 =	vld [tilespmem:s21+$0xFFFFFFF0];
	[tilespmem:s18+$0x10] =	vst v1  }
0x256: {  	v1 =	vld [tilespmem:s21+$0x0];
	[tilespmem:s18+$0x20] =	vst v2  }
0x257: {  	v2 =	vld [tilespmem:s21+$0x10];
	[tilespmem:s18+$0xFFFFFFC0] =	vst v4  }
0x258: {  	v4 =	vld [tilespmem:s21+$0x20]  }
0x259: {  	v7 =	vld [tilespmem:s21+$0xFFFFFFC0]  }
0x25a: {  	v6 =	vld.idx.msk [tilespmem:v6+s10+$0x0], $0xffff  }
0x25b: {  	v8 =	vld.idx.msk [tilespmem:v5+s10+$0x0], $0xffff  }
0x25c: {  	v5 =	vld.idx.msk [tilespmem:v3+s10+$0x0], $0xffff  }
.Ltmp13:
0x25d: {  	v3 =	vld.idx.msk [tilespmem:v0+s10+$0x0], $0xffff;
	(pc) =	sbr.rel @p1 .LBB2_24-.Ltmp13, $4  }
0x25e: {  	v0 =	vld.idx.msk [tilespmem:v1+s10+$0x0], $0xffff  }
0x25f: {  	s18 =	sadd.s32 $0x80, s18;
	v1 =	vld.idx.msk [tilespmem:v2+s10+$0x0], $0xffff  }
0x260: {  	v2 =	vld.idx.msk [tilespmem:v4+s10+$0x0], $0xffff;
	[tilespmem:s18+$0x30] =	vst v6  }
0x261: {  	s21 =	sadd.s32 $0x80, s21;
	v4 =	vld.idx.msk [tilespmem:v7+s10+$0x0], $0xffff;
	[tilespmem:s18+$0xFFFFFFD0] =	vst v8  }
0x262: {  	[tilespmem:s18+$0xFFFFFFE0] =	vst v5  }
0x263: {  	[tilespmem:s18+$0xFFFFFFF0] =	vst v3  }
0x264: {  	[tilespmem:s18+$0x0] =	vst v0  }
0x265: {  	[tilespmem:s18+$0x10] =	vst v1  }
0x266: {  	[tilespmem:s18+$0x20] =	vst v2  }
0x267: {  	[tilespmem:s18+$0xFFFFFFC0] =	vst v4  }
0x268: {  	[hbm4b:s0+s5] =	stream.strided.scatter [tilespmem:s13], [sflag:$0x4], $0x2000, s6, s5, $0x38;
	[tilespmem:$0x1E000] =	vst v63  }
0x269: {  	_ =	swait.ge [sflag:s9], $0x8000  }
0x26a: {  	[sflag:s9] =	ssyncset.done $0x0  }
0x26b: {  	s21 =	rddreg [dreg:$0x15];
	[sflag:s9] =	ssyncadd.s32 $0xFFFF8000  }
0x26c: {  	[tilespmem:s10], [sflag:$0x2] =	stream.strided.gather [hbm4b:s21+s5], $0x8000, s6, s5, $0x38;
	[tilespmem:$0x1E000] =	vst v63  }
0x26d: {  	_ =	swait.ge [sflag:s14], $0x2000  }
0x26e: {  	[sflag:s14] =	ssyncset.done $0x0  }
0x26f: {  	s22 =	simm.s32 $0x40;
	[sflag:s14] =	ssyncadd.s32 $0xFFFFE000  }
0x270: {  	v0 =	vld [tilespmem:s22+$0x30]  }
0x271: {  	v1 =	vld [tilespmem:s22+$0xFFFFFFD0]  }
0x272: {  	v2 =	vld [tilespmem:s22+$0xFFFFFFE0]  }
0x273: {  	v3 =	vld [tilespmem:s22+$0xFFFFFFF0]  }
0x274: {  	v4 =	vld [tilespmem:s22+$0x0]  }
0x275: {  	v6 =	vld [tilespmem:s22+$0x10]  }
0x276: {  	v7 =	vld [tilespmem:s22+$0x20]  }
0x277: {  	v8 =	vld [tilespmem:s22+$0xFFFFFFC0]  }
0x278: {  	v9 =	vld.idx.msk [tilespmem:v0+s8+$0x0], $0xffff  }
0x279: {  	v10 =	vld.idx.msk [tilespmem:v1+s8+$0x0], $0xffff  }
0x27a: {  	v5 =	vld.idx.msk [tilespmem:v2+s8+$0x0], $0xffff  }
0x27b: {  	v3 =	vld.idx.msk [tilespmem:v3+s8+$0x0], $0xffff  }
0x27c: {  	v0 =	vld.idx.msk [tilespmem:v4+s8+$0x0], $0xffff  }
0x27d: {  	s18 =	simm.s32 $0x1A040;
	v1 =	vld.idx.msk [tilespmem:v6+s8+$0x0], $0xffff  }
0x27e: {  	v2 =	vld.idx.msk [tilespmem:v7+s8+$0x0], $0xffff;
	[tilespmem:s18+$0x30] =	vst v9  }
0x27f: {  	s20 =	simm.s32 $0x0;
	s21 =	simm.s32 $0xC0;
	v4 =	vld.idx.msk [tilespmem:v8+s8+$0x0], $0xffff;
	[tilespmem:s18+$0xFFFFFFD0] =	vst v10  }
.LBB2_26:
0x280: {  	v6 =	vld [tilespmem:s21+$0x30];
	s20 =	sadd.s32 $0x8, s20;
	[tilespmem:s18+$0xFFFFFFE0] =	vst v5  }
0x281: {  	v5 =	vld [tilespmem:s21+$0xFFFFFFD0];
	p1 =	slt.u32 s20, $0x1F8;
	[tilespmem:s18+$0xFFFFFFF0] =	vst v3  }
0x282: {  	v3 =	vld [tilespmem:s21+$0xFFFFFFE0];
	[tilespmem:s18+$0x0] =	vst v0  }
0x283: {  	v0 =	vld [tilespmem:s21+$0xFFFFFFF0];
	[tilespmem:s18+$0x10] =	vst v1  }
0x284: {  	v1 =	vld [tilespmem:s21+$0x0];
	[tilespmem:s18+$0x20] =	vst v2  }
0x285: {  	v2 =	vld [tilespmem:s21+$0x10];
	[tilespmem:s18+$0xFFFFFFC0] =	vst v4  }
0x286: {  	v4 =	vld [tilespmem:s21+$0x20]  }
0x287: {  	v7 =	vld [tilespmem:s21+$0xFFFFFFC0]  }
0x288: {  	v6 =	vld.idx.msk [tilespmem:v6+s8+$0x0], $0xffff  }
0x289: {  	v8 =	vld.idx.msk [tilespmem:v5+s8+$0x0], $0xffff  }
0x28a: {  	v5 =	vld.idx.msk [tilespmem:v3+s8+$0x0], $0xffff  }
.Ltmp14:
0x28b: {  	v3 =	vld.idx.msk [tilespmem:v0+s8+$0x0], $0xffff;
	(pc) =	sbr.rel @p1 .LBB2_26-.Ltmp14, $4  }
0x28c: {  	v0 =	vld.idx.msk [tilespmem:v1+s8+$0x0], $0xffff  }
0x28d: {  	s18 =	sadd.s32 $0x80, s18;
	v1 =	vld.idx.msk [tilespmem:v2+s8+$0x0], $0xffff  }
0x28e: {  	v2 =	vld.idx.msk [tilespmem:v4+s8+$0x0], $0xffff;
	[tilespmem:s18+$0x30] =	vst v6  }
0x28f: {  	s21 =	sadd.s32 $0x80, s21;
	v4 =	vld.idx.msk [tilespmem:v7+s8+$0x0], $0xffff;
	[tilespmem:s18+$0xFFFFFFD0] =	vst v8  }
0x290: {  	[tilespmem:s18+$0xFFFFFFE0] =	vst v5  }
0x291: {  	[tilespmem:s18+$0xFFFFFFF0] =	vst v3  }
0x292: {  	[tilespmem:s18+$0x0] =	vst v0  }
0x293: {  	[tilespmem:s18+$0x10] =	vst v1  }
0x294: {  	[tilespmem:s18+$0x20] =	vst v2  }
0x295: {  	[tilespmem:s18+$0xFFFFFFC0] =	vst v4  }
0x296: {  	[hbm4b:s19+s5] =	stream.strided.scatter [tilespmem:s11], [sflag:$0x3], $0x2000, s6, s5, $0x38;
	[tilespmem:$0x1E000] =	vst v63  }
0x297: {  	_ =	swait.ge [sflag:s12], $0x8000  }
0x298: {  	[sflag:s12] =	ssyncset.done $0x0  }
0x299: {  	s21 =	rddreg [dreg:$0x16];
	[sflag:s12] =	ssyncadd.s32 $0xFFFF8000  }
0x29a: {  	[tilespmem:s8], [sflag:$0x1] =	stream.strided.gather [hbm4b:s21+s5], $0x8000, s6, s5, $0x38;
	[tilespmem:$0x1E000] =	vst v63  }
0x29b: {  	_ =	swait.ge [sflag:s15], $0x2000  }
0x29c: {  	[sflag:s15] =	ssyncset.done $0x0  }
0x29d: {  	s22 =	simm.s32 $0x40;
	[sflag:s15] =	ssyncadd.s32 $0xFFFFE000  }
0x29e: {  	v0 =	vld [tilespmem:s22+$0x30]  }
0x29f: {  	v1 =	vld [tilespmem:s22+$0xFFFFFFD0]  }
0x2a0: {  	v2 =	vld [tilespmem:s22+$0xFFFFFFE0]  }
0x2a1: {  	v3 =	vld [tilespmem:s22+$0xFFFFFFF0]  }
0x2a2: {  	v4 =	vld [tilespmem:s22+$0x0]  }
0x2a3: {  	v6 =	vld [tilespmem:s22+$0x10]  }
0x2a4: {  	v7 =	vld [tilespmem:s22+$0x20]  }
0x2a5: {  	v8 =	vld [tilespmem:s22+$0xFFFFFFC0]  }
0x2a6: {  	v9 =	vld.idx.msk [tilespmem:v0+s10+$0x0], $0xffff  }
0x2a7: {  	v10 =	vld.idx.msk [tilespmem:v1+s10+$0x0], $0xffff  }
0x2a8: {  	v5 =	vld.idx.msk [tilespmem:v2+s10+$0x0], $0xffff  }
0x2a9: {  	v3 =	vld.idx.msk [tilespmem:v3+s10+$0x0], $0xffff  }
0x2aa: {  	v0 =	vld.idx.msk [tilespmem:v4+s10+$0x0], $0xffff  }
0x2ab: {  	s18 =	simm.s32 $0x1C040;
	v1 =	vld.idx.msk [tilespmem:v6+s10+$0x0], $0xffff  }
0x2ac: {  	v2 =	vld.idx.msk [tilespmem:v7+s10+$0x0], $0xffff;
	[tilespmem:s18+$0x30] =	vst v9  }
0x2ad: {  	s20 =	simm.s32 $0x0;
	s21 =	simm.s32 $0xC0;
	v4 =	vld.idx.msk [tilespmem:v8+s10+$0x0], $0xffff;
	[tilespmem:s18+$0xFFFFFFD0] =	vst v10  }
.LBB2_28:
0x2ae: {  	v6 =	vld [tilespmem:s21+$0x30];
	s20 =	sadd.s32 $0x8, s20;
	[tilespmem:s18+$0xFFFFFFE0] =	vst v5  }
0x2af: {  	v5 =	vld [tilespmem:s21+$0xFFFFFFD0];
	p1 =	slt.u32 s20, $0x1F8;
	[tilespmem:s18+$0xFFFFFFF0] =	vst v3  }
0x2b0: {  	v3 =	vld [tilespmem:s21+$0xFFFFFFE0];
	[tilespmem:s18+$0x0] =	vst v0  }
0x2b1: {  	v0 =	vld [tilespmem:s21+$0xFFFFFFF0];
	[tilespmem:s18+$0x10] =	vst v1  }
0x2b2: {  	v1 =	vld [tilespmem:s21+$0x0];
	[tilespmem:s18+$0x20] =	vst v2  }
0x2b3: {  	v2 =	vld [tilespmem:s21+$0x10];
	[tilespmem:s18+$0xFFFFFFC0] =	vst v4  }
0x2b4: {  	v4 =	vld [tilespmem:s21+$0x20]  }
0x2b5: {  	v7 =	vld [tilespmem:s21+$0xFFFFFFC0]  }
0x2b6: {  	v6 =	vld.idx.msk [tilespmem:v6+s10+$0x0], $0xffff  }
0x2b7: {  	v8 =	vld.idx.msk [tilespmem:v5+s10+$0x0], $0xffff  }
0x2b8: {  	v5 =	vld.idx.msk [tilespmem:v3+s10+$0x0], $0xffff  }
.Ltmp15:
0x2b9: {  	v3 =	vld.idx.msk [tilespmem:v0+s10+$0x0], $0xffff;
	(pc) =	sbr.rel @p1 .LBB2_28-.Ltmp15, $4  }
0x2ba: {  	v0 =	vld.idx.msk [tilespmem:v1+s10+$0x0], $0xffff  }
0x2bb: {  	s18 =	sadd.s32 $0x80, s18;
	v1 =	vld.idx.msk [tilespmem:v2+s10+$0x0], $0xffff  }
0x2bc: {  	v2 =	vld.idx.msk [tilespmem:v4+s10+$0x0], $0xffff;
	[tilespmem:s18+$0x30] =	vst v6  }
0x2bd: {  	s21 =	sadd.s32 $0x80, s21;
	v4 =	vld.idx.msk [tilespmem:v7+s10+$0x0], $0xffff;
	[tilespmem:s18+$0xFFFFFFD0] =	vst v8  }
0x2be: {  	[tilespmem:s18+$0xFFFFFFE0] =	vst v5  }
0x2bf: {  	[tilespmem:s18+$0xFFFFFFF0] =	vst v3  }
0x2c0: {  	[tilespmem:s18+$0x0] =	vst v0  }
0x2c1: {  	[tilespmem:s18+$0x10] =	vst v1  }
0x2c2: {  	[tilespmem:s18+$0x20] =	vst v2  }
0x2c3: {  	[tilespmem:s18+$0xFFFFFFC0] =	vst v4  }
0x2c4: {  	[hbm4b:s1+s5] =	stream.strided.scatter [tilespmem:s13], [sflag:$0x4], $0x2000, s6, s5, $0x38;
	[tilespmem:$0x1E000] =	vst v63  }
0x2c5: {  	_ =	swait.ge [sflag:s9], $0x8000  }
0x2c6: {  	[sflag:s9] =	ssyncset.done $0x0  }
0x2c7: {  	s21 =	rddreg [dreg:$0x17];
	[sflag:s9] =	ssyncadd.s32 $0xFFFF8000  }
0x2c8: {  	[tilespmem:s10], [sflag:$0x2] =	stream.strided.gather [hbm4b:s21+s5], $0x8000, s6, s5, $0x38;
	[tilespmem:$0x1E000] =	vst v63  }
0x2c9: {  	_ =	swait.ge [sflag:s14], $0x2000  }
0x2ca: {  	[sflag:s14] =	ssyncset.done $0x0  }
0x2cb: {  	s22 =	simm.s32 $0x40;
	[sflag:s14] =	ssyncadd.s32 $0xFFFFE000  }
0x2cc: {  	v0 =	vld [tilespmem:s22+$0x30]  }
0x2cd: {  	v1 =	vld [tilespmem:s22+$0xFFFFFFD0]  }
0x2ce: {  	v2 =	vld [tilespmem:s22+$0xFFFFFFE0]  }
0x2cf: {  	v3 =	vld [tilespmem:s22+$0xFFFFFFF0]  }
0x2d0: {  	v4 =	vld [tilespmem:s22+$0x0]  }
0x2d1: {  	v6 =	vld [tilespmem:s22+$0x10]  }
0x2d2: {  	v7 =	vld [tilespmem:s22+$0x20]  }
0x2d3: {  	v8 =	vld [tilespmem:s22+$0xFFFFFFC0]  }
0x2d4: {  	v9 =	vld.idx.msk [tilespmem:v0+s8+$0x0], $0xffff  }
0x2d5: {  	v10 =	vld.idx.msk [tilespmem:v1+s8+$0x0], $0xffff  }
0x2d6: {  	v5 =	vld.idx.msk [tilespmem:v2+s8+$0x0], $0xffff  }
0x2d7: {  	v3 =	vld.idx.msk [tilespmem:v3+s8+$0x0], $0xffff  }
0x2d8: {  	v0 =	vld.idx.msk [tilespmem:v4+s8+$0x0], $0xffff  }
0x2d9: {  	s18 =	simm.s32 $0x1A040;
	v1 =	vld.idx.msk [tilespmem:v6+s8+$0x0], $0xffff  }
0x2da: {  	v2 =	vld.idx.msk [tilespmem:v7+s8+$0x0], $0xffff;
	[tilespmem:s18+$0x30] =	vst v9  }
0x2db: {  	s20 =	simm.s32 $0x0;
	s21 =	simm.s32 $0xC0;
	v4 =	vld.idx.msk [tilespmem:v8+s8+$0x0], $0xffff;
	[tilespmem:s18+$0xFFFFFFD0] =	vst v10  }
.LBB2_30:
0x2dc: {  	v6 =	vld [tilespmem:s21+$0x30];
	s20 =	sadd.s32 $0x8, s20;
	[tilespmem:s18+$0xFFFFFFE0] =	vst v5  }
0x2dd: {  	v5 =	vld [tilespmem:s21+$0xFFFFFFD0];
	p1 =	slt.u32 s20, $0x1F8;
	[tilespmem:s18+$0xFFFFFFF0] =	vst v3  }
0x2de: {  	v3 =	vld [tilespmem:s21+$0xFFFFFFE0];
	[tilespmem:s18+$0x0] =	vst v0  }
0x2df: {  	v0 =	vld [tilespmem:s21+$0xFFFFFFF0];
	[tilespmem:s18+$0x10] =	vst v1  }
0x2e0: {  	v1 =	vld [tilespmem:s21+$0x0];
	[tilespmem:s18+$0x20] =	vst v2  }
0x2e1: {  	v2 =	vld [tilespmem:s21+$0x10];
	[tilespmem:s18+$0xFFFFFFC0] =	vst v4  }
0x2e2: {  	v4 =	vld [tilespmem:s21+$0x20]  }
0x2e3: {  	v7 =	vld [tilespmem:s21+$0xFFFFFFC0]  }
0x2e4: {  	v6 =	vld.idx.msk [tilespmem:v6+s8+$0x0], $0xffff  }
0x2e5: {  	v8 =	vld.idx.msk [tilespmem:v5+s8+$0x0], $0xffff  }
0x2e6: {  	v5 =	vld.idx.msk [tilespmem:v3+s8+$0x0], $0xffff  }
.Ltmp16:
0x2e7: {  	v3 =	vld.idx.msk [tilespmem:v0+s8+$0x0], $0xffff;
	(pc) =	sbr.rel @p1 .LBB2_30-.Ltmp16, $4  }
0x2e8: {  	v0 =	vld.idx.msk [tilespmem:v1+s8+$0x0], $0xffff  }
0x2e9: {  	s18 =	sadd.s32 $0x80, s18;
	v1 =	vld.idx.msk [tilespmem:v2+s8+$0x0], $0xffff  }
0x2ea: {  	v2 =	vld.idx.msk [tilespmem:v4+s8+$0x0], $0xffff;
	[tilespmem:s18+$0x30] =	vst v6  }
0x2eb: {  	s21 =	sadd.s32 $0x80, s21;
	v4 =	vld.idx.msk [tilespmem:v7+s8+$0x0], $0xffff;
	[tilespmem:s18+$0xFFFFFFD0] =	vst v8  }
0x2ec: {  	[tilespmem:s18+$0xFFFFFFE0] =	vst v5  }
0x2ed: {  	[tilespmem:s18+$0xFFFFFFF0] =	vst v3  }
0x2ee: {  	[tilespmem:s18+$0x0] =	vst v0  }
0x2ef: {  	[tilespmem:s18+$0x10] =	vst v1  }
0x2f0: {  	[tilespmem:s18+$0x20] =	vst v2  }
0x2f1: {  	[tilespmem:s18+$0xFFFFFFC0] =	vst v4  }
0x2f2: {  	[hbm4b:s2+s5] =	stream.strided.scatter [tilespmem:s11], [sflag:$0x3], $0x2000, s6, s5, $0x38;
	[tilespmem:$0x1E000] =	vst v63  }
0x2f3: {  	_ =	swait.ge [sflag:s12], $0x8000  }
0x2f4: {  	[sflag:s12] =	ssyncset.done $0x0  }
0x2f5: {  	[sflag:s12] =	ssyncadd.s32 $0xFFFF8000  }
0x2f6: {  	_ =	swait.ge [sflag:s15], $0x2000  }
0x2f7: {  	[sflag:s15] =	ssyncset.done $0x0  }
0x2f8: {  	s22 =	simm.s32 $0x40;
	[sflag:s15] =	ssyncadd.s32 $0xFFFFE000  }
0x2f9: {  	v0 =	vld [tilespmem:s22+$0x30]  }
0x2fa: {  	v1 =	vld [tilespmem:s22+$0xFFFFFFD0]  }
0x2fb: {  	v2 =	vld [tilespmem:s22+$0xFFFFFFE0]  }
0x2fc: {  	v3 =	vld [tilespmem:s22+$0xFFFFFFF0]  }
0x2fd: {  	v4 =	vld [tilespmem:s22+$0x0]  }
0x2fe: {  	v6 =	vld [tilespmem:s22+$0x10]  }
0x2ff: {  	v7 =	vld [tilespmem:s22+$0x20]  }
0x300: {  	v8 =	vld [tilespmem:s22+$0xFFFFFFC0]  }
0x301: {  	v9 =	vld.idx.msk [tilespmem:v0+s10+$0x0], $0xffff  }
0x302: {  	v10 =	vld.idx.msk [tilespmem:v1+s10+$0x0], $0xffff  }
0x303: {  	v5 =	vld.idx.msk [tilespmem:v2+s10+$0x0], $0xffff  }
0x304: {  	v3 =	vld.idx.msk [tilespmem:v3+s10+$0x0], $0xffff  }
0x305: {  	v0 =	vld.idx.msk [tilespmem:v4+s10+$0x0], $0xffff  }
0x306: {  	s18 =	simm.s32 $0x1C040;
	v1 =	vld.idx.msk [tilespmem:v6+s10+$0x0], $0xffff  }
0x307: {  	v2 =	vld.idx.msk [tilespmem:v7+s10+$0x0], $0xffff;
	[tilespmem:s18+$0x30] =	vst v9  }
0x308: {  	s20 =	simm.s32 $0x0;
	s21 =	simm.s32 $0xC0;
	v4 =	vld.idx.msk [tilespmem:v8+s10+$0x0], $0xffff;
	[tilespmem:s18+$0xFFFFFFD0] =	vst v10  }
.LBB2_32:
0x309: {  	v6 =	vld [tilespmem:s21+$0x30];
	s20 =	sadd.s32 $0x8, s20;
	[tilespmem:s18+$0xFFFFFFE0] =	vst v5  }
0x30a: {  	v5 =	vld [tilespmem:s21+$0xFFFFFFD0];
	p1 =	slt.u32 s20, $0x1F8;
	[tilespmem:s18+$0xFFFFFFF0] =	vst v3  }
0x30b: {  	v3 =	vld [tilespmem:s21+$0xFFFFFFE0];
	[tilespmem:s18+$0x0] =	vst v0  }
0x30c: {  	v0 =	vld [tilespmem:s21+$0xFFFFFFF0];
	[tilespmem:s18+$0x10] =	vst v1  }
0x30d: {  	v1 =	vld [tilespmem:s21+$0x0];
	[tilespmem:s18+$0x20] =	vst v2  }
0x30e: {  	v2 =	vld [tilespmem:s21+$0x10];
	[tilespmem:s18+$0xFFFFFFC0] =	vst v4  }
0x30f: {  	v4 =	vld [tilespmem:s21+$0x20]  }
0x310: {  	v7 =	vld [tilespmem:s21+$0xFFFFFFC0]  }
0x311: {  	v6 =	vld.idx.msk [tilespmem:v6+s10+$0x0], $0xffff  }
0x312: {  	v8 =	vld.idx.msk [tilespmem:v5+s10+$0x0], $0xffff  }
0x313: {  	v5 =	vld.idx.msk [tilespmem:v3+s10+$0x0], $0xffff  }
.Ltmp17:
0x314: {  	v3 =	vld.idx.msk [tilespmem:v0+s10+$0x0], $0xffff;
	(pc) =	sbr.rel @p1 .LBB2_32-.Ltmp17, $4  }
0x315: {  	v0 =	vld.idx.msk [tilespmem:v1+s10+$0x0], $0xffff  }
0x316: {  	s18 =	sadd.s32 $0x80, s18;
	v1 =	vld.idx.msk [tilespmem:v2+s10+$0x0], $0xffff  }
0x317: {  	v2 =	vld.idx.msk [tilespmem:v4+s10+$0x0], $0xffff;
	[tilespmem:s18+$0x30] =	vst v6  }
0x318: {  	s21 =	sadd.s32 $0x80, s21;
	v4 =	vld.idx.msk [tilespmem:v7+s10+$0x0], $0xffff;
	[tilespmem:s18+$0xFFFFFFD0] =	vst v8  }
0x319: {  	[tilespmem:s18+$0xFFFFFFE0] =	vst v5  }
0x31a: {  	[tilespmem:s18+$0xFFFFFFF0] =	vst v3  }
0x31b: {  	[tilespmem:s18+$0x0] =	vst v0  }
0x31c: {  	[tilespmem:s18+$0x10] =	vst v1  }
0x31d: {  	[tilespmem:s18+$0x20] =	vst v2  }
0x31e: {  	[tilespmem:s18+$0xFFFFFFC0] =	vst v4  }
0x31f: {  	[hbm4b:s3+s5] =	stream.strided.scatter [tilespmem:s13], [sflag:$0x4], $0x2000, s6, s5, $0x38;
	[tilespmem:$0x1E000] =	vst v63  }
0x320: {  	_ =	swait.ge [sflag:s14], $0x2000  }
.Ltmp18:
0x321: {  	[sflag:s14] =	ssyncset.done $0x0;
	(pc) =	sbr.rel @p0 .LBB2_37-.Ltmp18, $4  }
0x322: {  	[sflag:s14] =	ssyncadd.s32 $0xFFFFE000  }
0x323: {  	_ =	swait.ge [sflag:s15], $0x2000  }
0x324: {  	[sflag:s15] =	ssyncset.done $0x0  }
0x325: {  	[sflag:s15] =	ssyncadd.s32 $0xFFFFE000  }
0x326: {  	s18 =	simm.s32 $0x5  }
0x327: {  	_ =	swait.ge [sflag:s18], $0x8000  }
0x328: {  	[sflag:s18] =	ssyncset.done $0x0  }
0x329: {  	s22 =	simm.s32 $0x40;
	[sflag:s18] =	ssyncadd.s32 $0xFFFF8000  }
0x32a: {  	v0 =	vld [tilespmem:s22+$0x30]  }
0x32b: {  	v1 =	vld [tilespmem:s22+$0xFFFFFFD0]  }
0x32c: {  	v2 =	vld [tilespmem:s22+$0xFFFFFFE0]  }
0x32d: {  	v3 =	vld [tilespmem:s22+$0xFFFFFFF0]  }
0x32e: {  	v4 =	vld [tilespmem:s22+$0x0]  }
0x32f: {  	v6 =	vld [tilespmem:s22+$0x10]  }
0x330: {  	v7 =	vld [tilespmem:s22+$0x20]  }
0x331: {  	v8 =	vld [tilespmem:s22+$0xFFFFFFC0]  }
0x332: {  	v9 =	vld.idx.msk [tilespmem:v0+s16+$0x0], $0xffff  }
0x333: {  	v10 =	vld.idx.msk [tilespmem:v1+s16+$0x0], $0xffff  }
0x334: {  	v5 =	vld.idx.msk [tilespmem:v2+s16+$0x0], $0xffff  }
0x335: {  	v3 =	vld.idx.msk [tilespmem:v3+s16+$0x0], $0xffff  }
0x336: {  	v0 =	vld.idx.msk [tilespmem:v4+s16+$0x0], $0xffff  }
0x337: {  	s18 =	simm.s32 $0x1A040;
	v1 =	vld.idx.msk [tilespmem:v6+s16+$0x0], $0xffff  }
0x338: {  	v2 =	vld.idx.msk [tilespmem:v7+s16+$0x0], $0xffff;
	[tilespmem:s18+$0x30] =	vst v9  }
0x339: {  	s20 =	simm.s32 $0x0;
	s21 =	simm.s32 $0xC0;
	v4 =	vld.idx.msk [tilespmem:v8+s16+$0x0], $0xffff;
	[tilespmem:s18+$0xFFFFFFD0] =	vst v10  }
.LBB2_35:
0x33a: {  	v6 =	vld [tilespmem:s21+$0x30];
	s20 =	sadd.s32 $0x8, s20;
	[tilespmem:s18+$0xFFFFFFE0] =	vst v5  }
0x33b: {  	v5 =	vld [tilespmem:s21+$0xFFFFFFD0];
	p1 =	slt.u32 s20, $0x1F8;
	[tilespmem:s18+$0xFFFFFFF0] =	vst v3  }
0x33c: {  	v3 =	vld [tilespmem:s21+$0xFFFFFFE0];
	[tilespmem:s18+$0x0] =	vst v0  }
0x33d: {  	v0 =	vld [tilespmem:s21+$0xFFFFFFF0];
	[tilespmem:s18+$0x10] =	vst v1  }
0x33e: {  	v1 =	vld [tilespmem:s21+$0x0];
	[tilespmem:s18+$0x20] =	vst v2  }
0x33f: {  	v2 =	vld [tilespmem:s21+$0x10];
	[tilespmem:s18+$0xFFFFFFC0] =	vst v4  }
0x340: {  	v4 =	vld [tilespmem:s21+$0x20]  }
0x341: {  	v7 =	vld [tilespmem:s21+$0xFFFFFFC0]  }
0x342: {  	v6 =	vld.idx.msk [tilespmem:v6+s16+$0x0], $0xffff  }
0x343: {  	v8 =	vld.idx.msk [tilespmem:v5+s16+$0x0], $0xffff  }
0x344: {  	v5 =	vld.idx.msk [tilespmem:v3+s16+$0x0], $0xffff  }
.Ltmp19:
0x345: {  	v3 =	vld.idx.msk [tilespmem:v0+s16+$0x0], $0xffff;
	(pc) =	sbr.rel @p1 .LBB2_35-.Ltmp19, $4  }
0x346: {  	v0 =	vld.idx.msk [tilespmem:v1+s16+$0x0], $0xffff  }
0x347: {  	s18 =	sadd.s32 $0x80, s18;
	v1 =	vld.idx.msk [tilespmem:v2+s16+$0x0], $0xffff  }
0x348: {  	v2 =	vld.idx.msk [tilespmem:v4+s16+$0x0], $0xffff;
	[tilespmem:s18+$0x30] =	vst v6  }
0x349: {  	s21 =	sadd.s32 $0x80, s21;
	v4 =	vld.idx.msk [tilespmem:v7+s16+$0x0], $0xffff;
	[tilespmem:s18+$0xFFFFFFD0] =	vst v8  }
.Ltmp20:
0x34a: {  	_ = 	snop;
	(pc) =	sbr.rel .LBB2_36-.Ltmp20, $1  }
0x34b: {  	_ =	sdelay $0x3  }
.LBB2_38:
0x34c: {  	_ =	sfence.sel $0x180000  }
0x34d: {  	[bflag:$0x0] =	sbarrier.arrive $0xFFFF  }
0x34e: {  	_ =	strace $0x90000047  }
0x34f: {  	s0 =	stileid.u32;
	[bflag:$0x2] =	sbarrier.arrive $0xFFFF  }
0x350: {  	p0 =	sne.s32 s0, $0x0;
	s0 =	rddreg [dreg:$0x5]  }
0x351: {  	s0 =	sadd.s32 @!p0 $0x100000, s0  }
0x352: {  	[sflag:s0] =	ssyncadd.tile.s32 @!p0 $0x1;
	_ =	shalt  }
.Lfunc_end2:
_tile_overlayer_lowered:
.L_overlay_start_2:
0x353: {  	(tag) =	ssettag $0x2  }
0x354: {  	s0 =	rddreg [dreg:$0x0];
	s2 =	stileid.u32  }
0x355: {  	s1 =	rddreg [dreg:$0x1];
	p0 =	sne.s32 s2, $0x0  }
0x356: {  	s3 =	rddreg [dreg:$0x2];
	[bflag:$0x3] =	sbarrier.arrive $0xFFFF;
	s2 =	simm.s32 @!p0 $0x1C06  }
0x357: {  	[timem:s3], [sflag:s2] =	dma.local @!p0 [hbm:s0], s1  }
0x358: {  	s0 =	simm.s32 @!p0 $0x6  }
0x359: {  	_ =	swait.ge @!p0 [sflag:s0], s1  }
0x35a: {  	s1 =	ssub.s32 @!p0 $0x0, s1;
	[sflag:s0] =	ssyncset.done @!p0 $0x0  }
0x35b: {  	[sflag:s0] =	ssyncadd.s32 @!p0 s1  }
0x35c: {  	[bflag:$0x3] =	sbarrier.arrive $0xFFFF  }
0x35d: {  	_ =	shalt  }

</sc_bundles>
